<compile_context>
chip_gen: v7x
topology: tpu7x:2x2x1
jax: 0.10.2.dev20260603
libtpu: 0.0.44.dev20260713+nightly
codegen_flags: <defaults>
</compile_context>

<pallas_src>
import functools
import math

import jax
import jax.numpy as jnp
from jax import lax
from jax.experimental import pallas as pl
from jax.experimental.pallas import tpu as pltpu
from jax.experimental.pallas import tpu_sc as plsc

_B, _C, _T, _H, _W = 16, 768, 8, 12, 30
_N = _H * _W
_K = 120
_R = 2 + _K + _N
_HALF = _R // 2
_NW = 32
_CHUNK = 128
_GB = 8


def _scoretopk_kernel(x_hbm, cls_ref, idx_ref, s0, p_scr, sem):
    i = pl.program_id(0)
    ns = _B // _GB
    slot = lax.rem(i, 2)
    nxt = lax.rem(i + 1, 2)

    @pl.when(i == 0)
    def _():
        pltpu.make_async_copy(x_hbm.at[pl.ds(0, _GB), :, 0, :], s0.at[0],
                              sem.at[0]).start()

    @pl.when(i + 1 < ns)
    def _():
        nb = jnp.minimum(i + 1, ns - 1)
        pltpu.make_async_copy(x_hbm.at[pl.ds(nb * _GB, _GB), :, 0, :],
                              s0.at[nxt], sem.at[nxt]).start()

    @pl.when(i < ns)
    def _():
        pltpu.make_async_copy(x_hbm.at[pl.ds(i * _GB, _GB), :, 0, :],
                              s0.at[slot], sem.at[slot]).wait()
        for k in range(_GB):
            x0t = s0[slot, k]
            cls0 = cls_ref[k, 0:1, :]
            s = jax.lax.dot_general(
                cls0, x0t, (((1,), (1,)), ((), ())),
                preferred_element_type=jnp.float32) / math.sqrt(_C)
            p_scr[i * _GB + k] = jax.nn.softmax(s, axis=-1)

    @pl.when(i >= ns)
    def _():
        norm = jnp.max(p_scr[...])
        row = jax.lax.broadcasted_iota(jnp.int32, (_N, _N), 0)
        col = jax.lax.broadcasted_iota(jnp.int32, (_N, _N), 1)
        k_iota = jax.lax.broadcasted_iota(jnp.int32, (_K, _N), 0)
        t_iota = jax.lax.broadcasted_iota(jnp.int32, (_K, _N), 1)
        for k in range(_GB):
            bb = (i - ns) * _GB + k
            q = p_scr[bb] / norm
            qT = jnp.transpose(q)
            cmp = (qT > q) | ((qT == q) & (row < col))
            rank = jnp.sum(cmp.astype(jnp.int32), axis=0, keepdims=True)
            onehot = (k_iota == rank).astype(jnp.int32)
            ids = jnp.sum(onehot * t_iota, axis=1, keepdims=True)
            idx_ref[k, 0:_K, :] = bb * (_N * _T) + ids * _T
            idx_ref[k, _K:, :] = jnp.zeros((128 - _K, 1), jnp.int32)


def _make_assemble():
    mesh = plsc.VectorSubcoreMesh(core_axis_name="c", subcore_axis_name="s")

    @functools.partial(
        pl.kernel,
        mesh=mesh,
        out_type=jax.ShapeDtypeStruct((_B, _R, _C), jnp.float32),
        scratch_types=[
            pltpu.VMEM((2, _CHUNK), jnp.int32),
            pltpu.VMEM((2, _CHUNK), jnp.int32),
            pltpu.VMEM((_CHUNK, _C), jnp.float32),
            pltpu.SemaphoreType.DMA,
            pltpu.SemaphoreType.DMA,
        ],
    )
    def _assemble(xflat_hbm, cls_hbm, src_hbm, dst_hbm, out_hbm,
                  src_v, dst_v, rows_v, gsem, ssem):
        cid = lax.axis_index("c")
        sid = lax.axis_index("s")
        w = sid * 2 + cid
        pltpu.sync_copy(src_hbm.at[w], src_v)
        pltpu.sync_copy(dst_hbm.at[w], dst_v)
        for j in range(2):
            pltpu.async_copy(xflat_hbm.at[src_v.at[j]], rows_v, gsem).wait()
            if j == 0:
                @pl.when(cid == 0)
                def _():
                    pltpu.sync_copy(cls_hbm.at[sid * 8], rows_v.at[0])
                    pltpu.sync_copy(cls_hbm.at[sid * 8 + 1], rows_v.at[121])
            pltpu.async_copy(rows_v, out_hbm.at[sid].at[dst_v.at[j]],
                             ssem).wait()

    return _assemble


def kernel(x, cls_tokens):
    b, c, t, h, w = x.shape
    n = h * w
    xt4 = jnp.transpose(x, (0, 3, 4, 2, 1)).reshape(b, n, t, c)
    xflat = xt4.reshape(b * n * t, c)
    cls_flat = cls_tokens.reshape(b * t, c)

    ns = b // _GB
    sel = pl.pallas_call(
        _scoretopk_kernel,
        grid=(2 * ns,),
        in_specs=[
            pl.BlockSpec(memory_space=pl.ANY),
            pl.BlockSpec((_GB, t, c),
                         lambda i: (jnp.minimum(i, b // _GB - 1), 0, 0)),
        ],
        out_specs=pl.BlockSpec(
            (_GB, 128, 1), lambda i: (jnp.maximum(i - b // _GB, 0), 0, 0)),
        out_shape=jax.ShapeDtypeStruct((b, 128, 1), jnp.int32),
        scratch_shapes=[
            pltpu.VMEM((2, _GB, n, c), jnp.float32),
            pltpu.VMEM((b, 1, n), jnp.float32),
            pltpu.SemaphoreType.DMA((2,)),
        ],
    )(xt4, cls_tokens)
    sel_rows = sel[:, :_K, 0]

    batch_base = (jnp.arange(b, dtype=jnp.int32) * (n * t))[:, None]
    glob_rows = batch_base + jnp.arange(n, dtype=jnp.int32)[None, :] * t + 1
    zero = jnp.zeros((b, 1), jnp.int32)
    row_map = jnp.concatenate(
        [batch_base + zero, sel_rows, batch_base + zero, glob_rows], axis=1)
    row_map = row_map.reshape(_NW, _HALF)

    j_idx = jnp.minimum(
        jnp.arange(2, dtype=jnp.int32)[:, None] * _CHUNK
        + jnp.arange(_CHUNK, dtype=jnp.int32)[None, :],
        _HALF - 1)
    src_map = jnp.take_along_axis(
        row_map[:, None, :], j_idx[None], axis=2)
    dst_map = ((jnp.arange(_NW, dtype=jnp.int32) % 2) * _HALF)[:, None, None] \
        + j_idx[None]

    return _make_assemble()(xflat, cls_flat, src_map, dst_map)

# --- scband reference (transcript-rebuilt; emitter-appended) ---
"""Pipeline reference for scband-gloable-local-feature-selector-10892037062873 (READ-ONLY COPY).

The authoritative reference and input builder live on the scoring server;
editing this copy changes nothing except your own understanding.
"""

import jax, jax.numpy as jnp
import numpy as np
import math


def setup_inputs(seed: int = 0) -> dict:
    key = jax.random.key(seed)
    k1, k2 = jax.random.split(key)
    x = jax.random.normal(k1, (16, 768, 8, 12, 30), dtype=jnp.float32)
    cls_tokens = jax.random.normal(k2, (16, 8, 768), dtype=jnp.float32)
    return {"x": x, "cls_tokens": cls_tokens}


def reference(x, cls_tokens):
    extend_token_num = 120
    b, c, t, h, w = x.shape
    # h == final_h and w == final_w, so no downsampling branch
    x_r = jnp.transpose(x, (0, 2, 3, 4, 1)).reshape(b, t, h * w, c)
    if t == 1:
        return jnp.concatenate([cls_tokens, x_r[:, 0, :, :]], axis=1)
    # cross-attention scores per frame (computed under no_grad in torch)
    scores = jnp.einsum('btc,btnc->btn', cls_tokens, x_r) / math.sqrt(c)
    scores = jax.nn.softmax(scores, axis=-1)
    scores = jax.lax.stop_gradient(scores)
    # torch: per-frame division by the global max over (batch, tokens) of that frame
    norm = jnp.max(scores, axis=(0, 2), keepdims=True)
    scores = scores / norm
    _, top_k_indices = jax.lax.top_k(scores, extend_token_num)  # [b, t, k]
    local_tokens = jnp.take_along_axis(x_r, top_k_indices[..., None], axis=2)  # [b, t, k, c]
    sec_frame_global_tokens = x_r[:, 1, :, :]
    fir_frame_local_tokens = local_tokens[:, 0, :, :]
    fir_frame_cls_token = cls_tokens[:, 0, :][:, None, :]
    sec_frame_cls_token = cls_tokens[:, 1, :][:, None, :]
    final_tokens = jnp.concatenate(
        [fir_frame_cls_token, fir_frame_local_tokens, sec_frame_cls_token, sec_frame_global_tokens],
        axis=1,
    )
    return final_tokens

if __name__ == "__main__":
    import jax
    _d = setup_inputs()
    print(jax.jit(kernel)(*tuple(_d.values())))

</pallas_src>

<mosaic_0001>
#map = affine_map<(d0, d1) -> (0, 0)>
#map1 = affine_map<(d0, d1) -> (0, 0, 0)>
module attributes {stable_mosaic.version = 14 : i64} {
  func.func @_assemble(%arg0: i32, %arg1: i32, %arg2: memref<46080x768xf32, #tpu.memory_space<hbm>>, %arg3: memref<128x768xf32, #tpu.memory_space<hbm>>, %arg4: memref<32x2x128xi32, #tpu.memory_space<hbm>>, %arg5: memref<32x2x128xi32, #tpu.memory_space<hbm>>, %arg6: memref<16x482x768xf32, #tpu.memory_space<hbm>>, %arg7: memref<2x128xi32, #tpu.memory_space<vmem>>, %arg8: memref<2x128xi32, #tpu.memory_space<vmem>>, %arg9: memref<128x768xf32, #tpu.memory_space<vmem>>, %arg10: memref<!tpu.dma_semaphore, #tpu.memory_space<semaphore_mem>>, %arg11: memref<!tpu.dma_semaphore, #tpu.memory_space<semaphore_mem>>) attributes {dimension_semantics = [#tpu.dimension_semantics<core_parallel>, #tpu.dimension_semantics<subcore_parallel>], iteration_bounds = array<i64: 2, 16>, scalar_prefetch = 0 : i64, scratch_operands = 5 : i64, tpu.core_type = #tpu.core_type<sc_vector_subcore>, window_params = [{transform_indices = #map}, {transform_indices = #map}, {transform_indices = #map1}, {transform_indices = #map1}, {transform_indices = #map1}]} {
    %mul3A = arith.constant 2 : i32
    %mul3A_0 = arith.muli %arg1, %mul3A : i32
    %add3A = arith.addi %mul3A_0, %arg0 : i32
    "tpu.region"() ({
      %run_scoped3A = tpu.sem_alloc : memref<!tpu.dma_semaphore, #tpu.memory_space<semaphore_mem>>
      %dma_start3A_73 = arith.constant 0 : i32
      %dma_start3A_74 = arith.constant 0 : i32
      %dma_start3A_75 = tpu.memref_slice %arg4[%add3A, %dma_start3A_73, %dma_start3A_74] : memref<32x2x128xi32, #tpu.memory_space<hbm>> -> memref<1x2x128xi32, #tpu.memory_space<hbm>>
      %dma_start3A_76 = tpu.memref_squeeze %dma_start3A_75 : memref<1x2x128xi32, #tpu.memory_space<hbm>> -> memref<2x128xi32, #tpu.memory_space<hbm>>
      %dma_start3A_77 = arith.constant 0 : i32
      %dma_start3A_78 = arith.constant 0 : i32
      %dma_start3A_79 = tpu.memref_slice %arg4[%add3A, %dma_start3A_77, %dma_start3A_78] : memref<32x2x128xi32, #tpu.memory_space<hbm>> -> memref<1x2x128xi32, #tpu.memory_space<hbm>>
      %dma_start3A_80 = tpu.memref_squeeze %dma_start3A_79 : memref<1x2x128xi32, #tpu.memory_space<hbm>> -> memref<2x128xi32, #tpu.memory_space<hbm>>
      tpu.enqueue_dma source(%dma_start3A_80 : memref<2x128xi32, #tpu.memory_space<hbm>>) target(%arg7 : memref<2x128xi32, #tpu.memory_space<vmem>>) target_semaphore(%run_scoped3A : memref<!tpu.dma_semaphore, #tpu.memory_space<semaphore_mem>>)
      %dma_wait3A_81 = arith.constant 0 : i32
      %dma_wait3A_82 = arith.constant 0 : i32
      %dma_wait3A_83 = tpu.memref_slice %arg4[%add3A, %dma_wait3A_81, %dma_wait3A_82] : memref<32x2x128xi32, #tpu.memory_space<hbm>> -> memref<1x2x128xi32, #tpu.memory_space<hbm>>
      %dma_wait3A_84 = tpu.memref_squeeze %dma_wait3A_83 : memref<1x2x128xi32, #tpu.memory_space<hbm>> -> memref<2x128xi32, #tpu.memory_space<hbm>>
      %dma_wait3A_85 = arith.constant 0 : i32
      %dma_wait3A_86 = arith.constant 0 : i32
      %dma_wait3A_87 = tpu.memref_slice %arg4[%add3A, %dma_wait3A_85, %dma_wait3A_86] : memref<32x2x128xi32, #tpu.memory_space<hbm>> -> memref<1x2x128xi32, #tpu.memory_space<hbm>>
      %dma_wait3A_88 = tpu.memref_squeeze %dma_wait3A_87 : memref<1x2x128xi32, #tpu.memory_space<hbm>> -> memref<2x128xi32, #tpu.memory_space<hbm>>
      tpu.wait_dma2 semaphore(%run_scoped3A : memref<!tpu.dma_semaphore, #tpu.memory_space<semaphore_mem>>) src(%dma_wait3A_88 : memref<2x128xi32, #tpu.memory_space<hbm>>) dst(%arg7 : memref<2x128xi32, #tpu.memory_space<vmem>>)
      tpu.yield
    }) : () -> ()
    "tpu.region"() ({
      %run_scoped3A = tpu.sem_alloc : memref<!tpu.dma_semaphore, #tpu.memory_space<semaphore_mem>>
      %dma_start3A_73 = arith.constant 0 : i32
      %dma_start3A_74 = arith.constant 0 : i32
      %dma_start3A_75 = tpu.memref_slice %arg5[%add3A, %dma_start3A_73, %dma_start3A_74] : memref<32x2x128xi32, #tpu.memory_space<hbm>> -> memref<1x2x128xi32, #tpu.memory_space<hbm>>
      %dma_start3A_76 = tpu.memref_squeeze %dma_start3A_75 : memref<1x2x128xi32, #tpu.memory_space<hbm>> -> memref<2x128xi32, #tpu.memory_space<hbm>>
      %dma_start3A_77 = arith.constant 0 : i32
      %dma_start3A_78 = arith.constant 0 : i32
      %dma_start3A_79 = tpu.memref_slice %arg5[%add3A, %dma_start3A_77, %dma_start3A_78] : memref<32x2x128xi32, #tpu.memory_space<hbm>> -> memref<1x2x128xi32, #tpu.memory_space<hbm>>
      %dma_start3A_80 = tpu.memref_squeeze %dma_start3A_79 : memref<1x2x128xi32, #tpu.memory_space<hbm>> -> memref<2x128xi32, #tpu.memory_space<hbm>>
      tpu.enqueue_dma source(%dma_start3A_80 : memref<2x128xi32, #tpu.memory_space<hbm>>) target(%arg8 : memref<2x128xi32, #tpu.memory_space<vmem>>) target_semaphore(%run_scoped3A : memref<!tpu.dma_semaphore, #tpu.memory_space<semaphore_mem>>)
      %dma_wait3A_81 = arith.constant 0 : i32
      %dma_wait3A_82 = arith.constant 0 : i32
      %dma_wait3A_83 = tpu.memref_slice %arg5[%add3A, %dma_wait3A_81, %dma_wait3A_82] : memref<32x2x128xi32, #tpu.memory_space<hbm>> -> memref<1x2x128xi32, #tpu.memory_space<hbm>>
      %dma_wait3A_84 = tpu.memref_squeeze %dma_wait3A_83 : memref<1x2x128xi32, #tpu.memory_space<hbm>> -> memref<2x128xi32, #tpu.memory_space<hbm>>
      %dma_wait3A_85 = arith.constant 0 : i32
      %dma_wait3A_86 = arith.constant 0 : i32
      %dma_wait3A_87 = tpu.memref_slice %arg5[%add3A, %dma_wait3A_85, %dma_wait3A_86] : memref<32x2x128xi32, #tpu.memory_space<hbm>> -> memref<1x2x128xi32, #tpu.memory_space<hbm>>
      %dma_wait3A_88 = tpu.memref_squeeze %dma_wait3A_87 : memref<1x2x128xi32, #tpu.memory_space<hbm>> -> memref<2x128xi32, #tpu.memory_space<hbm>>
      tpu.wait_dma2 semaphore(%run_scoped3A : memref<!tpu.dma_semaphore, #tpu.memory_space<semaphore_mem>>) src(%dma_wait3A_88 : memref<2x128xi32, #tpu.memory_space<hbm>>) dst(%arg8 : memref<2x128xi32, #tpu.memory_space<vmem>>)
      tpu.yield
    }) : () -> ()
    %dma_start3A = arith.constant 0 : i32
    %dma_start3A_1 = arith.constant 0 : i32
    %dma_start3A_2 = tpu.memref_slice %arg7[%dma_start3A, %dma_start3A_1] : memref<2x128xi32, #tpu.memory_space<vmem>> -> memref<1x128xi32, #tpu.memory_space<vmem>>
    %dma_start3A_3 = tpu.memref_squeeze %dma_start3A_2 : memref<1x128xi32, #tpu.memory_space<vmem>> -> memref<128xi32, #tpu.memory_space<vmem>>
    %dma_start3A_4 = arith.constant 0 : i32
    %dma_start3A_5 = arith.constant 0 : i32
    %dma_start3A_6 = tpu.memref_slice %arg2[%dma_start3A_4, %dma_start3A_5] : memref<46080x768xf32, #tpu.memory_space<hbm>> -> memref<46080x768xf32, #tpu.memory_space<hbm>>
    tpu.enqueue_indirect_dma source(%dma_start3A_6 : memref<46080x768xf32, #tpu.memory_space<hbm>>) target(%arg9 : memref<128x768xf32, #tpu.memory_space<vmem>>) offsets(%dma_start3A_3 : memref<128xi32, #tpu.memory_space<vmem>>) semaphore(%arg10 : memref<!tpu.dma_semaphore, #tpu.memory_space<semaphore_mem>>)
    %dma_wait3A = arith.constant 0 : i32
    %dma_wait3A_7 = arith.constant 0 : i32
    %dma_wait3A_8 = tpu.memref_slice %arg7[%dma_wait3A, %dma_wait3A_7] : memref<2x128xi32, #tpu.memory_space<vmem>> -> memref<1x128xi32, #tpu.memory_space<vmem>>
    %dma_wait3A_9 = tpu.memref_squeeze %dma_wait3A_8 : memref<1x128xi32, #tpu.memory_space<vmem>> -> memref<128xi32, #tpu.memory_space<vmem>>
    %dma_wait3A_10 = arith.constant 0 : i32
    %dma_wait3A_11 = arith.constant 0 : i32
    %dma_wait3A_12 = tpu.memref_slice %arg2[%dma_wait3A_10, %dma_wait3A_11] : memref<46080x768xf32, #tpu.memory_space<hbm>> -> memref<46080x768xf32, #tpu.memory_space<hbm>>
    tpu.wait_indirect_dma semaphore(%arg10 : memref<!tpu.dma_semaphore, #tpu.memory_space<semaphore_mem>>) src(%dma_wait3A_12 : memref<46080x768xf32, #tpu.memory_space<hbm>>) dst(%arg9 : memref<128x768xf32, #tpu.memory_space<vmem>>)
    %eq3A = arith.constant 0 : i32
    %eq3A_13 = arith.cmpi eq, %arg0, %eq3A : i32
    %convert_element_type3A = arith.extui %eq3A_13 : i1 to i32
    %cond3A = arith.constant 0 : i32
    %cond3A_14 = arith.cmpi ne, %convert_element_type3A, %cond3A : i32
    scf.if %cond3A_14 {
      %mul3A_73 = arith.constant 8 : i32
      %mul3A_74 = arith.muli %arg1, %mul3A_73 : i32
      %run_scoped3A = arith.constant 0 : i32
      "tpu.region"() ({
        %run_scoped3A_80 = tpu.sem_alloc : memref<!tpu.dma_semaphore, #tpu.memory_space<semaphore_mem>>
        %dma_start3A_81 = arith.constant 0 : i32
        %dma_start3A_82 = tpu.memref_slice %arg9[%run_scoped3A, %dma_start3A_81] : memref<128x768xf32, #tpu.memory_space<vmem>> -> memref<1x768xf32, #tpu.memory_space<vmem>>
        %dma_start3A_83 = tpu.memref_squeeze %dma_start3A_82 : memref<1x768xf32, #tpu.memory_space<vmem>> -> memref<768xf32, #tpu.memory_space<vmem>>
        %dma_start3A_84 = arith.constant 0 : i32
        %dma_start3A_85 = tpu.memref_slice %arg3[%mul3A_74, %dma_start3A_84] : memref<128x768xf32, #tpu.memory_space<hbm>> -> memref<1x768xf32, #tpu.memory_space<hbm>>
        %dma_start3A_86 = tpu.memref_squeeze %dma_start3A_85 : memref<1x768xf32, #tpu.memory_space<hbm>> -> memref<768xf32, #tpu.memory_space<hbm>>
        %dma_start3A_87 = arith.constant 0 : i32
        %dma_start3A_88 = tpu.memref_slice %arg9[%run_scoped3A, %dma_start3A_87] : memref<128x768xf32, #tpu.memory_space<vmem>> -> memref<1x768xf32, #tpu.memory_space<vmem>>
        %dma_start3A_89 = tpu.memref_squeeze %dma_start3A_88 : memref<1x768xf32, #tpu.memory_space<vmem>> -> memref<768xf32, #tpu.memory_space<vmem>>
        %dma_start3A_90 = arith.constant 0 : i32
        %dma_start3A_91 = tpu.memref_slice %arg3[%mul3A_74, %dma_start3A_90] : memref<128x768xf32, #tpu.memory_space<hbm>> -> memref<1x768xf32, #tpu.memory_space<hbm>>
        %dma_start3A_92 = tpu.memref_squeeze %dma_start3A_91 : memref<1x768xf32, #tpu.memory_space<hbm>> -> memref<768xf32, #tpu.memory_space<hbm>>
        tpu.enqueue_dma source(%dma_start3A_92 : memref<768xf32, #tpu.memory_space<hbm>>) target(%dma_start3A_89 : memref<768xf32, #tpu.memory_space<vmem>>) target_semaphore(%run_scoped3A_80 : memref<!tpu.dma_semaphore, #tpu.memory_space<semaphore_mem>>)
        %dma_wait3A_93 = arith.constant 0 : i32
        %dma_wait3A_94 = tpu.memref_slice %arg9[%run_scoped3A, %dma_wait3A_93] : memref<128x768xf32, #tpu.memory_space<vmem>> -> memref<1x768xf32, #tpu.memory_space<vmem>>
        %dma_wait3A_95 = tpu.memref_squeeze %dma_wait3A_94 : memref<1x768xf32, #tpu.memory_space<vmem>> -> memref<768xf32, #tpu.memory_space<vmem>>
        %dma_wait3A_96 = arith.constant 0 : i32
        %dma_wait3A_97 = tpu.memref_slice %arg3[%mul3A_74, %dma_wait3A_96] : memref<128x768xf32, #tpu.memory_space<hbm>> -> memref<1x768xf32, #tpu.memory_space<hbm>>
        %dma_wait3A_98 = tpu.memref_squeeze %dma_wait3A_97 : memref<1x768xf32, #tpu.memory_space<hbm>> -> memref<768xf32, #tpu.memory_space<hbm>>
        %dma_wait3A_99 = arith.constant 0 : i32
        %dma_wait3A_100 = tpu.memref_slice %arg9[%run_scoped3A, %dma_wait3A_99] : memref<128x768xf32, #tpu.memory_space<vmem>> -> memref<1x768xf32, #tpu.memory_space<vmem>>
        %dma_wait3A_101 = tpu.memref_squeeze %dma_wait3A_100 : memref<1x768xf32, #tpu.memory_space<vmem>> -> memref<768xf32, #tpu.memory_space<vmem>>
        %dma_wait3A_102 = arith.constant 0 : i32
        %dma_wait3A_103 = tpu.memref_slice %arg3[%mul3A_74, %dma_wait3A_102] : memref<128x768xf32, #tpu.memory_space<hbm>> -> memref<1x768xf32, #tpu.memory_space<hbm>>
        %dma_wait3A_104 = tpu.memref_squeeze %dma_wait3A_103 : memref<1x768xf32, #tpu.memory_space<hbm>> -> memref<768xf32, #tpu.memory_space<hbm>>
        tpu.wait_dma2 semaphore(%run_scoped3A_80 : memref<!tpu.dma_semaphore, #tpu.memory_space<semaphore_mem>>) src(%dma_wait3A_104 : memref<768xf32, #tpu.memory_space<hbm>>) dst(%dma_wait3A_101 : memref<768xf32, #tpu.memory_space<vmem>>)
        tpu.yield
      }) : () -> ()
      %mul3A_75 = arith.constant 8 : i32
      %mul3A_76 = arith.muli %arg1, %mul3A_75 : i32
      %add3A_77 = arith.constant 1 : i32
      %add3A_78 = arith.addi %mul3A_76, %add3A_77 : i32
      %run_scoped3A_79 = arith.constant 121 : i32
      "tpu.region"() ({
        %run_scoped3A_80 = tpu.sem_alloc : memref<!tpu.dma_semaphore, #tpu.memory_space<semaphore_mem>>
        %dma_start3A_81 = arith.constant 0 : i32
        %dma_start3A_82 = tpu.memref_slice %arg9[%run_scoped3A_79, %dma_start3A_81] : memref<128x768xf32, #tpu.memory_space<vmem>> -> memref<1x768xf32, #tpu.memory_space<vmem>>
        %dma_start3A_83 = tpu.memref_squeeze %dma_start3A_82 : memref<1x768xf32, #tpu.memory_space<vmem>> -> memref<768xf32, #tpu.memory_space<vmem>>
        %dma_start3A_84 = arith.constant 0 : i32
        %dma_start3A_85 = tpu.memref_slice %arg3[%add3A_78, %dma_start3A_84] : memref<128x768xf32, #tpu.memory_space<hbm>> -> memref<1x768xf32, #tpu.memory_space<hbm>>
        %dma_start3A_86 = tpu.memref_squeeze %dma_start3A_85 : memref<1x768xf32, #tpu.memory_space<hbm>> -> memref<768xf32, #tpu.memory_space<hbm>>
        %dma_start3A_87 = arith.constant 0 : i32
        %dma_start3A_88 = tpu.memref_slice %arg9[%run_scoped3A_79, %dma_start3A_87] : memref<128x768xf32, #tpu.memory_space<vmem>> -> memref<1x768xf32, #tpu.memory_space<vmem>>
        %dma_start3A_89 = tpu.memref_squeeze %dma_start3A_88 : memref<1x768xf32, #tpu.memory_space<vmem>> -> memref<768xf32, #tpu.memory_space<vmem>>
        %dma_start3A_90 = arith.constant 0 : i32
        %dma_start3A_91 = tpu.memref_slice %arg3[%add3A_78, %dma_start3A_90] : memref<128x768xf32, #tpu.memory_space<hbm>> -> memref<1x768xf32, #tpu.memory_space<hbm>>
        %dma_start3A_92 = tpu.memref_squeeze %dma_start3A_91 : memref<1x768xf32, #tpu.memory_space<hbm>> -> memref<768xf32, #tpu.memory_space<hbm>>
        tpu.enqueue_dma source(%dma_start3A_92 : memref<768xf32, #tpu.memory_space<hbm>>) target(%dma_start3A_89 : memref<768xf32, #tpu.memory_space<vmem>>) target_semaphore(%run_scoped3A_80 : memref<!tpu.dma_semaphore, #tpu.memory_space<semaphore_mem>>)
        %dma_wait3A_93 = arith.constant 0 : i32
        %dma_wait3A_94 = tpu.memref_slice %arg9[%run_scoped3A_79, %dma_wait3A_93] : memref<128x768xf32, #tpu.memory_space<vmem>> -> memref<1x768xf32, #tpu.memory_space<vmem>>
        %dma_wait3A_95 = tpu.memref_squeeze %dma_wait3A_94 : memref<1x768xf32, #tpu.memory_space<vmem>> -> memref<768xf32, #tpu.memory_space<vmem>>
        %dma_wait3A_96 = arith.constant 0 : i32
        %dma_wait3A_97 = tpu.memref_slice %arg3[%add3A_78, %dma_wait3A_96] : memref<128x768xf32, #tpu.memory_space<hbm>> -> memref<1x768xf32, #tpu.memory_space<hbm>>
        %dma_wait3A_98 = tpu.memref_squeeze %dma_wait3A_97 : memref<1x768xf32, #tpu.memory_space<hbm>> -> memref<768xf32, #tpu.memory_space<hbm>>
        %dma_wait3A_99 = arith.constant 0 : i32
        %dma_wait3A_100 = tpu.memref_slice %arg9[%run_scoped3A_79, %dma_wait3A_99] : memref<128x768xf32, #tpu.memory_space<vmem>> -> memref<1x768xf32, #tpu.memory_space<vmem>>
        %dma_wait3A_101 = tpu.memref_squeeze %dma_wait3A_100 : memref<1x768xf32, #tpu.memory_space<vmem>> -> memref<768xf32, #tpu.memory_space<vmem>>
        %dma_wait3A_102 = arith.constant 0 : i32
        %dma_wait3A_103 = tpu.memref_slice %arg3[%add3A_78, %dma_wait3A_102] : memref<128x768xf32, #tpu.memory_space<hbm>> -> memref<1x768xf32, #tpu.memory_space<hbm>>
        %dma_wait3A_104 = tpu.memref_squeeze %dma_wait3A_103 : memref<1x768xf32, #tpu.memory_space<hbm>> -> memref<768xf32, #tpu.memory_space<hbm>>
        tpu.wait_dma2 semaphore(%run_scoped3A_80 : memref<!tpu.dma_semaphore, #tpu.memory_space<semaphore_mem>>) src(%dma_wait3A_104 : memref<768xf32, #tpu.memory_space<hbm>>) dst(%dma_wait3A_101 : memref<768xf32, #tpu.memory_space<vmem>>)
        tpu.yield
      }) : () -> ()
    } else {
    }
    %dma_start3A_15 = arith.constant 0 : i32
    %dma_start3A_16 = arith.constant 0 : i32
    %dma_start3A_17 = tpu.memref_slice %arg8[%dma_start3A_15, %dma_start3A_16] : memref<2x128xi32, #tpu.memory_space<vmem>> -> memref<1x128xi32, #tpu.memory_space<vmem>>
    %dma_start3A_18 = tpu.memref_squeeze %dma_start3A_17 : memref<1x128xi32, #tpu.memory_space<vmem>> -> memref<128xi32, #tpu.memory_space<vmem>>
    %dma_start3A_19 = arith.constant 0 : i32
    %dma_start3A_20 = arith.constant 0 : i32
    %dma_start3A_21 = tpu.memref_slice %arg6[%arg1, %dma_start3A_19, %dma_start3A_20] : memref<16x482x768xf32, #tpu.memory_space<hbm>> -> memref<1x482x768xf32, #tpu.memory_space<hbm>>
    %dma_start3A_22 = tpu.memref_squeeze %dma_start3A_21 : memref<1x482x768xf32, #tpu.memory_space<hbm>> -> memref<482x768xf32, #tpu.memory_space<hbm>>
    %dma_start3A_23 = arith.constant 0 : i32
    %dma_start3A_24 = arith.constant 0 : i32
    %dma_start3A_25 = tpu.memref_slice %dma_start3A_22[%dma_start3A_23, %dma_start3A_24] : memref<482x768xf32, #tpu.memory_space<hbm>> -> memref<482x768xf32, #tpu.memory_space<hbm>>
    tpu.enqueue_indirect_dma source(%arg9 : memref<128x768xf32, #tpu.memory_space<vmem>>) target(%dma_start3A_25 : memref<482x768xf32, #tpu.memory_space<hbm>>) offsets(%dma_start3A_18 : memref<128xi32, #tpu.memory_space<vmem>>) semaphore(%arg11 : memref<!tpu.dma_semaphore, #tpu.memory_space<semaphore_mem>>)
    %dma_wait3A_26 = arith.constant 0 : i32
    %dma_wait3A_27 = arith.constant 0 : i32
    %dma_wait3A_28 = tpu.memref_slice %arg8[%dma_wait3A_26, %dma_wait3A_27] : memref<2x128xi32, #tpu.memory_space<vmem>> -> memref<1x128xi32, #tpu.memory_space<vmem>>
    %dma_wait3A_29 = tpu.memref_squeeze %dma_wait3A_28 : memref<1x128xi32, #tpu.memory_space<vmem>> -> memref<128xi32, #tpu.memory_space<vmem>>
    %dma_wait3A_30 = arith.constant 0 : i32
    %dma_wait3A_31 = arith.constant 0 : i32
    %dma_wait3A_32 = tpu.memref_slice %arg6[%arg1, %dma_wait3A_30, %dma_wait3A_31] : memref<16x482x768xf32, #tpu.memory_space<hbm>> -> memref<1x482x768xf32, #tpu.memory_space<hbm>>
    %dma_wait3A_33 = tpu.memref_squeeze %dma_wait3A_32 : memref<1x482x768xf32, #tpu.memory_space<hbm>> -> memref<482x768xf32, #tpu.memory_space<hbm>>
    %dma_wait3A_34 = arith.constant 0 : i32
    %dma_wait3A_35 = arith.constant 0 : i32
    %dma_wait3A_36 = tpu.memref_slice %dma_wait3A_33[%dma_wait3A_34, %dma_wait3A_35] : memref<482x768xf32, #tpu.memory_space<hbm>> -> memref<482x768xf32, #tpu.memory_space<hbm>>
    tpu.wait_indirect_dma semaphore(%arg11 : memref<!tpu.dma_semaphore, #tpu.memory_space<semaphore_mem>>) src(%arg9 : memref<128x768xf32, #tpu.memory_space<vmem>>) dst(%dma_wait3A_36 : memref<482x768xf32, #tpu.memory_space<hbm>>)
    %dma_start3A_37 = arith.constant 1 : i32
    %dma_start3A_38 = arith.constant 0 : i32
    %dma_start3A_39 = tpu.memref_slice %arg7[%dma_start3A_37, %dma_start3A_38] : memref<2x128xi32, #tpu.memory_space<vmem>> -> memref<1x128xi32, #tpu.memory_space<vmem>>
    %dma_start3A_40 = tpu.memref_squeeze %dma_start3A_39 : memref<1x128xi32, #tpu.memory_space<vmem>> -> memref<128xi32, #tpu.memory_space<vmem>>
    %dma_start3A_41 = arith.constant 0 : i32
    %dma_start3A_42 = arith.constant 0 : i32
    %dma_start3A_43 = tpu.memref_slice %arg2[%dma_start3A_41, %dma_start3A_42] : memref<46080x768xf32, #tpu.memory_space<hbm>> -> memref<46080x768xf32, #tpu.memory_space<hbm>>
    tpu.enqueue_indirect_dma source(%dma_start3A_43 : memref<46080x768xf32, #tpu.memory_space<hbm>>) target(%arg9 : memref<128x768xf32, #tpu.memory_space<vmem>>) offsets(%dma_start3A_40 : memref<128xi32, #tpu.memory_space<vmem>>) semaphore(%arg10 : memref<!tpu.dma_semaphore, #tpu.memory_space<semaphore_mem>>)
    %dma_wait3A_44 = arith.constant 1 : i32
    %dma_wait3A_45 = arith.constant 0 : i32
    %dma_wait3A_46 = tpu.memref_slice %arg7[%dma_wait3A_44, %dma_wait3A_45] : memref<2x128xi32, #tpu.memory_space<vmem>> -> memref<1x128xi32, #tpu.memory_space<vmem>>
    %dma_wait3A_47 = tpu.memref_squeeze %dma_wait3A_46 : memref<1x128xi32, #tpu.memory_space<vmem>> -> memref<128xi32, #tpu.memory_space<vmem>>
    %dma_wait3A_48 = arith.constant 0 : i32
    %dma_wait3A_49 = arith.constant 0 : i32
    %dma_wait3A_50 = tpu.memref_slice %arg2[%dma_wait3A_48, %dma_wait3A_49] : memref<46080x768xf32, #tpu.memory_space<hbm>> -> memref<46080x768xf32, #tpu.memory_space<hbm>>
    tpu.wait_indirect_dma semaphore(%arg10 : memref<!tpu.dma_semaphore, #tpu.memory_space<semaphore_mem>>) src(%dma_wait3A_50 : memref<46080x768xf32, #tpu.memory_space<hbm>>) dst(%arg9 : memref<128x768xf32, #tpu.memory_space<vmem>>)
    %dma_start3A_51 = arith.constant 1 : i32
    %dma_start3A_52 = arith.constant 0 : i32
    %dma_start3A_53 = tpu.memref_slice %arg8[%dma_start3A_51, %dma_start3A_52] : memref<2x128xi32, #tpu.memory_space<vmem>> -> memref<1x128xi32, #tpu.memory_space<vmem>>
    %dma_start3A_54 = tpu.memref_squeeze %dma_start3A_53 : memref<1x128xi32, #tpu.memory_space<vmem>> -> memref<128xi32, #tpu.memory_space<vmem>>
    %dma_start3A_55 = arith.constant 0 : i32
    %dma_start3A_56 = arith.constant 0 : i32
    %dma_start3A_57 = tpu.memref_slice %arg6[%arg1, %dma_start3A_55, %dma_start3A_56] : memref<16x482x768xf32, #tpu.memory_space<hbm>> -> memref<1x482x768xf32, #tpu.memory_space<hbm>>
    %dma_start3A_58 = tpu.memref_squeeze %dma_start3A_57 : memref<1x482x768xf32, #tpu.memory_space<hbm>> -> memref<482x768xf32, #tpu.memory_space<hbm>>
    %dma_start3A_59 = arith.constant 0 : i32
    %dma_start3A_60 = arith.constant 0 : i32
    %dma_start3A_61 = tpu.memref_slice %dma_start3A_58[%dma_start3A_59, %dma_start3A_60] : memref<482x768xf32, #tpu.memory_space<hbm>> -> memref<482x768xf32, #tpu.memory_space<hbm>>
    tpu.enqueue_indirect_dma source(%arg9 : memref<128x768xf32, #tpu.memory_space<vmem>>) target(%dma_start3A_61 : memref<482x768xf32, #tpu.memory_space<hbm>>) offsets(%dma_start3A_54 : memref<128xi32, #tpu.memory_space<vmem>>) semaphore(%arg11 : memref<!tpu.dma_semaphore, #tpu.memory_space<semaphore_mem>>)
    %dma_wait3A_62 = arith.constant 1 : i32
    %dma_wait3A_63 = arith.constant 0 : i32
    %dma_wait3A_64 = tpu.memref_slice %arg8[%dma_wait3A_62, %dma_wait3A_63] : memref<2x128xi32, #tpu.memory_space<vmem>> -> memref<1x128xi32, #tpu.memory_space<vmem>>
    %dma_wait3A_65 = tpu.memref_squeeze %dma_wait3A_64 : memref<1x128xi32, #tpu.memory_space<vmem>> -> memref<128xi32, #tpu.memory_space<vmem>>
    %dma_wait3A_66 = arith.constant 0 : i32
    %dma_wait3A_67 = arith.constant 0 : i32
    %dma_wait3A_68 = tpu.memref_slice %arg6[%arg1, %dma_wait3A_66, %dma_wait3A_67] : memref<16x482x768xf32, #tpu.memory_space<hbm>> -> memref<1x482x768xf32, #tpu.memory_space<hbm>>
    %dma_wait3A_69 = tpu.memref_squeeze %dma_wait3A_68 : memref<1x482x768xf32, #tpu.memory_space<hbm>> -> memref<482x768xf32, #tpu.memory_space<hbm>>
    %dma_wait3A_70 = arith.constant 0 : i32
    %dma_wait3A_71 = arith.constant 0 : i32
    %dma_wait3A_72 = tpu.memref_slice %dma_wait3A_69[%dma_wait3A_70, %dma_wait3A_71] : memref<482x768xf32, #tpu.memory_space<hbm>> -> memref<482x768xf32, #tpu.memory_space<hbm>>
    tpu.wait_indirect_dma semaphore(%arg11 : memref<!tpu.dma_semaphore, #tpu.memory_space<semaphore_mem>>) src(%arg9 : memref<128x768xf32, #tpu.memory_space<vmem>>) dst(%dma_wait3A_72 : memref<482x768xf32, #tpu.memory_space<hbm>>)
    return
  }
}

module attributes {stable_mosaic.version = 14 : i64} {
  func.func @_scoretopk_kernel(%arg0: i32, %arg1: memref<16x360x8x768xf32, #tpu.memory_space<any>>, %arg2: memref<8x8x768xf32, #tpu.memory_space<vmem>>, %arg3: memref<8x128x1xi32, #tpu.memory_space<vmem>>, %arg4: memref<2x8x360x768xf32, #tpu.memory_space<vmem>>, %arg5: memref<16x1x360xf32, #tpu.memory_space<vmem>>, %arg6: memref<2x!tpu.dma_semaphore, #tpu.memory_space<semaphore_mem>>) attributes {dimension_semantics = [#tpu.dimension_semantics<arbitrary>], iteration_bounds = array<i64: 4>, scalar_prefetch = 0 : i64, scratch_operands = 3 : i64, tpu.core_type = #tpu.core_type<tc>, window_params = [{}, {transform_indices = @transform_1, window_bounds = array<i64: 8, 8, 768>}, {transform_indices = @transform_2, window_bounds = array<i64: 8, 128, 1>}]} {
    %rem3A = arith.constant 2 : i32
    %rem3A_0 = arith.remsi %arg0, %rem3A : i32
    %add3A = arith.constant 1 : i32
    %add3A_1 = arith.addi %arg0, %add3A : i32
    %rem3A_2 = arith.constant 2 : i32
    %rem3A_3 = arith.remsi %add3A_1, %rem3A_2 : i32
    %eq3A = arith.constant 0 : i32
    %eq3A_4 = arith.cmpi eq, %arg0, %eq3A : i32
    %convert_element_type3A = arith.extui %eq3A_4 : i1 to i32
    %cond3A = arith.constant 0 : i32
    %cond3A_5 = arith.cmpi ne, %convert_element_type3A, %cond3A : i32
    scf.if %cond3A_5 {
      %dma_start3A = arith.constant 0 : i32
      %dma_start3A_21 = arith.constant 0 : i32
      %dma_start3A_22 = arith.constant 0 : i32
      %dma_start3A_23 = tpu.memref_slice %arg6[%dma_start3A_22] : memref<2x!tpu.dma_semaphore, #tpu.memory_space<semaphore_mem>> -> memref<1x!tpu.dma_semaphore, #tpu.memory_space<semaphore_mem>>
      %dma_start3A_24 = tpu.memref_squeeze %dma_start3A_23 : memref<1x!tpu.dma_semaphore, #tpu.memory_space<semaphore_mem>> -> memref<!tpu.dma_semaphore, #tpu.memory_space<semaphore_mem>>
      %dma_start3A_25 = arith.constant 0 : i32
      %dma_start3A_26 = arith.constant 0 : i32
      %dma_start3A_27 = arith.constant 0 : i32
      %dma_start3A_28 = tpu.memref_slice %arg4[%dma_start3A_21, %dma_start3A_25, %dma_start3A_26, %dma_start3A_27] : memref<2x8x360x768xf32, #tpu.memory_space<vmem>> -> memref<1x8x360x768xf32, #tpu.memory_space<vmem>>
      %dma_start3A_29 = tpu.memref_squeeze %dma_start3A_28 : memref<1x8x360x768xf32, #tpu.memory_space<vmem>> -> memref<8x360x768xf32, #tpu.memory_space<vmem>>
      %dma_start3A_30 = arith.constant 0 : i32
      %dma_start3A_31 = arith.constant 0 : i32
      %dma_start3A_32 = arith.constant 0 : i32
      %dma_start3A_33 = tpu.memref_slice %arg1[%dma_start3A_30, %dma_start3A_31, %dma_start3A, %dma_start3A_32] : memref<16x360x8x768xf32, #tpu.memory_space<any>> -> memref<8x360x1x768xf32, #tpu.memory_space<any>>
      %dma_start3A_34 = tpu.memref_squeeze %dma_start3A_33 : memref<8x360x1x768xf32, #tpu.memory_space<any>> -> memref<8x360x768xf32, #tpu.memory_space<any>>
      tpu.enqueue_dma source(%dma_start3A_34 : memref<8x360x768xf32, #tpu.memory_space<any>>) target(%dma_start3A_29 : memref<8x360x768xf32, #tpu.memory_space<vmem>>) target_semaphore(%dma_start3A_24 : memref<!tpu.dma_semaphore, #tpu.memory_space<semaphore_mem>>)
    } else {
    }
    %add3A_6 = arith.constant 1 : i32
    %add3A_7 = arith.addi %arg0, %add3A_6 : i32
    %lt3A = arith.constant 2 : i32
    %lt3A_8 = arith.cmpi slt, %add3A_7, %lt3A : i32
    %convert_element_type3A_9 = arith.extui %lt3A_8 : i1 to i32
    %cond3A_10 = arith.constant 0 : i32
    %cond3A_11 = arith.cmpi ne, %convert_element_type3A_9, %cond3A_10 : i32
    scf.if %cond3A_11 {
      %add3A_21 = arith.constant 1 : i32
      %add3A_22 = arith.addi %arg0, %add3A_21 : i32
      %min3A = arith.constant 1 : i32
      %min3A_23 = arith.minsi %add3A_22, %min3A : i32
      %mul3A = arith.constant 8 : i32
      %mul3A_24 = arith.muli %min3A_23, %mul3A : i32
      %dma_start3A = arith.constant 0 : i32
      %dma_start3A_25 = tpu.memref_slice %arg6[%rem3A_3] : memref<2x!tpu.dma_semaphore, #tpu.memory_space<semaphore_mem>> -> memref<1x!tpu.dma_semaphore, #tpu.memory_space<semaphore_mem>>
      %dma_start3A_26 = tpu.memref_squeeze %dma_start3A_25 : memref<1x!tpu.dma_semaphore, #tpu.memory_space<semaphore_mem>> -> memref<!tpu.dma_semaphore, #tpu.memory_space<semaphore_mem>>
      %dma_start3A_27 = arith.constant 0 : i32
      %dma_start3A_28 = arith.constant 0 : i32
      %dma_start3A_29 = arith.constant 0 : i32
      %dma_start3A_30 = tpu.memref_slice %arg4[%rem3A_3, %dma_start3A_27, %dma_start3A_28, %dma_start3A_29] : memref<2x8x360x768xf32, #tpu.memory_space<vmem>> -> memref<1x8x360x768xf32, #tpu.memory_space<vmem>>
      %dma_start3A_31 = tpu.memref_squeeze %dma_start3A_30 : memref<1x8x360x768xf32, #tpu.memory_space<vmem>> -> memref<8x360x768xf32, #tpu.memory_space<vmem>>
      %dma_start3A_32 = arith.constant 0 : i32
      %dma_start3A_33 = arith.constant 0 : i32
      %dma_start3A_34 = tpu.memref_slice %arg1[%mul3A_24, %dma_start3A_32, %dma_start3A, %dma_start3A_33] : memref<16x360x8x768xf32, #tpu.memory_space<any>> -> memref<8x360x1x768xf32, #tpu.memory_space<any>>
      %dma_start3A_35 = tpu.memref_squeeze %dma_start3A_34 : memref<8x360x1x768xf32, #tpu.memory_space<any>> -> memref<8x360x768xf32, #tpu.memory_space<any>>
      tpu.enqueue_dma source(%dma_start3A_35 : memref<8x360x768xf32, #tpu.memory_space<any>>) target(%dma_start3A_31 : memref<8x360x768xf32, #tpu.memory_space<vmem>>) target_semaphore(%dma_start3A_26 : memref<!tpu.dma_semaphore, #tpu.memory_space<semaphore_mem>>)
    } else {
    }
    %lt3A_12 = arith.constant 2 : i32
    %lt3A_13 = arith.cmpi slt, %arg0, %lt3A_12 : i32
    %convert_element_type3A_14 = arith.extui %lt3A_13 : i1 to i32
    %cond3A_15 = arith.constant 0 : i32
    %cond3A_16 = arith.cmpi ne, %convert_element_type3A_14, %cond3A_15 : i32
    scf.if %cond3A_16 {
      %mul3A = arith.constant 8 : i32
      %mul3A_21 = arith.muli %arg0, %mul3A : i32
      %dma_wait3A = arith.constant 0 : i32
      %dma_wait3A_22 = tpu.memref_slice %arg6[%rem3A_0] : memref<2x!tpu.dma_semaphore, #tpu.memory_space<semaphore_mem>> -> memref<1x!tpu.dma_semaphore, #tpu.memory_space<semaphore_mem>>
      %dma_wait3A_23 = tpu.memref_squeeze %dma_wait3A_22 : memref<1x!tpu.dma_semaphore, #tpu.memory_space<semaphore_mem>> -> memref<!tpu.dma_semaphore, #tpu.memory_space<semaphore_mem>>
      %dma_wait3A_24 = arith.constant 0 : i32
      %dma_wait3A_25 = arith.constant 0 : i32
      %dma_wait3A_26 = arith.constant 0 : i32
      %dma_wait3A_27 = tpu.memref_slice %arg4[%rem3A_0, %dma_wait3A_24, %dma_wait3A_25, %dma_wait3A_26] : memref<2x8x360x768xf32, #tpu.memory_space<vmem>> -> memref<1x8x360x768xf32, #tpu.memory_space<vmem>>
      %dma_wait3A_28 = tpu.memref_squeeze %dma_wait3A_27 : memref<1x8x360x768xf32, #tpu.memory_space<vmem>> -> memref<8x360x768xf32, #tpu.memory_space<vmem>>
      %dma_wait3A_29 = arith.constant 0 : i32
      %dma_wait3A_30 = arith.constant 0 : i32
      %dma_wait3A_31 = tpu.memref_slice %arg1[%mul3A_21, %dma_wait3A_29, %dma_wait3A, %dma_wait3A_30] : memref<16x360x8x768xf32, #tpu.memory_space<any>> -> memref<8x360x1x768xf32, #tpu.memory_space<any>>
      %dma_wait3A_32 = tpu.memref_squeeze %dma_wait3A_31 : memref<8x360x1x768xf32, #tpu.memory_space<any>> -> memref<8x360x768xf32, #tpu.memory_space<any>>
      tpu.wait_dma2 semaphore(%dma_wait3A_23 : memref<!tpu.dma_semaphore, #tpu.memory_space<semaphore_mem>>) src(%dma_wait3A_32 : memref<8x360x768xf32, #tpu.memory_space<any>>) dst(%dma_wait3A_28 : memref<8x360x768xf32, #tpu.memory_space<vmem>>)
      %get3A = arith.index_cast %rem3A_0 : i32 to index
      %get3A_33 = arith.constant 0 : index
      %get3A_34 = arith.constant 0 : index
      %get3A_35 = arith.constant 0 : index
      %get3A_36 = vector.load %arg4[%get3A, %get3A_33, %get3A_34, %get3A_35] : memref<2x8x360x768xf32, #tpu.memory_space<vmem>>, vector<1x1x360x768xf32>
      %get3A_37 = vector.shape_cast %get3A_36 : vector<1x1x360x768xf32> to vector<360x768xf32>
      %get3A_38 = arith.constant 0 : index
      %get3A_39 = arith.constant 0 : index
      %get3A_40 = arith.constant 0 : index
      %get3A_41 = vector.load %arg2[%get3A_38, %get3A_39, %get3A_40] : memref<8x8x768xf32, #tpu.memory_space<vmem>>, vector<1x1x768xf32>
      %get3A_42 = vector.shape_cast %get3A_41 : vector<1x1x768xf32> to vector<1x768xf32>
      %dot_general3A = arith.constant dense<0.000000e+00> : vector<1x360xf32>
      %dot_general3A_43 = tpu.matmul %get3A_42, %get3A_37, %dot_general3A {dimension_numbers = #tpu.dot_dimension_numbers<[1], [1], [0], [0], [0, 0, 1, 0], [], []>, transpose_lhs_hint = false} : vector<1x768xf32>, vector<360x768xf32>, vector<1x360xf32> -> vector<1x360xf32>
      %div3A = arith.constant 27.7128124 : f32
      %div3A_44 = vector.broadcast %div3A : f32 to vector<1x360xf32>
      %div3A_45 = arith.divf %dot_general3A_43, %div3A_44 : vector<1x360xf32>
      %reduce_max3A = arith.constant dense<0xFF800000> : vector<1xf32>
      %reduce_max3A_46 = vector.multi_reduction <maximumf>, %div3A_45, %reduce_max3A [1] : vector<1x360xf32> to vector<1xf32>
      %max3A = arith.constant 0xFF800000 : f32
      %max3A_47 = vector.broadcast %max3A : f32 to vector<1xf32>
      %max3A_48 = arith.maximumf %max3A_47, %reduce_max3A_46 : vector<1xf32>
      %broadcast_in_dim3A = vector.shape_cast %max3A_48 : vector<1xf32> to vector<1x1xf32>
      %sub3A = vector.broadcast %broadcast_in_dim3A : vector<1x1xf32> to vector<1x360xf32>
      %sub3A_49 = arith.subf %div3A_45, %sub3A : vector<1x360xf32>
      %exp3A = math.exp %sub3A_49 : vector<1x360xf32>
      %reduce_sum3A = arith.constant dense<0.000000e+00> : vector<1xf32>
      %reduce_sum3A_50 = vector.multi_reduction <add>, %exp3A, %reduce_sum3A [1] : vector<1x360xf32> to vector<1xf32>
      %broadcast_in_dim3A_51 = vector.shape_cast %reduce_sum3A_50 : vector<1xf32> to vector<1x1xf32>
      %div3A_52 = vector.broadcast %broadcast_in_dim3A_51 : vector<1x1xf32> to vector<1x360xf32>
      %div3A_53 = arith.divf %exp3A, %div3A_52 : vector<1x360xf32>
      %mul3A_54 = arith.constant 8 : i32
      %mul3A_55 = arith.muli %arg0, %mul3A_54 : i32
      %add3A_56 = arith.constant 0 : i32
      %add3A_57 = arith.addi %mul3A_55, %add3A_56 : i32
      %swap3A = arith.index_cast %add3A_57 : i32 to index
      %swap3A_58 = arith.constant 0 : index
      %swap3A_59 = arith.constant 0 : index
      %swap3A_60 = vector.load %arg5[%swap3A, %swap3A_58, %swap3A_59] : memref<16x1x360xf32, #tpu.memory_space<vmem>>, vector<1x1x360xf32>
      %swap3A_61 = vector.shape_cast %swap3A_60 : vector<1x1x360xf32> to vector<1x360xf32>
      %swap3A_62 = vector.shape_cast %div3A_53 : vector<1x360xf32> to vector<1x1x360xf32>
      tpu.vector_store %arg5[%swap3A, %swap3A_58, %swap3A_59], %swap3A_62 {strides = array<i32>} : memref<16x1x360xf32, #tpu.memory_space<vmem>>, vector<1x1x360xf32>,
      %get3A_63 = arith.index_cast %rem3A_0 : i32 to index
      %get3A_64 = arith.constant 1 : index
      %get3A_65 = arith.constant 0 : index
      %get3A_66 = arith.constant 0 : index
      %get3A_67 = vector.load %arg4[%get3A_63, %get3A_64, %get3A_65, %get3A_66] : memref<2x8x360x768xf32, #tpu.memory_space<vmem>>, vector<1x1x360x768xf32>
      %get3A_68 = vector.shape_cast %get3A_67 : vector<1x1x360x768xf32> to vector<360x768xf32>
      %get3A_69 = arith.constant 1 : index
      %get3A_70 = arith.constant 0 : index
      %get3A_71 = arith.constant 0 : index
      %get3A_72 = vector.load %arg2[%get3A_69, %get3A_70, %get3A_71] : memref<8x8x768xf32, #tpu.memory_space<vmem>>, vector<1x1x768xf32>
      %get3A_73 = vector.shape_cast %get3A_72 : vector<1x1x768xf32> to vector<1x768xf32>
      %dot_general3A_74 = arith.constant dense<0.000000e+00> : vector<1x360xf32>
      %dot_general3A_75 = tpu.matmul %get3A_73, %get3A_68, %dot_general3A_74 {dimension_numbers = #tpu.dot_dimension_numbers<[1], [1], [0], [0], [0, 0, 1, 0], [], []>, transpose_lhs_hint = false} : vector<1x768xf32>, vector<360x768xf32>, vector<1x360xf32> -> vector<1x360xf32>
      %div3A_76 = arith.constant 27.7128124 : f32
      %div3A_77 = vector.broadcast %div3A_76 : f32 to vector<1x360xf32>
      %div3A_78 = arith.divf %dot_general3A_75, %div3A_77 : vector<1x360xf32>
      %reduce_max3A_79 = arith.constant dense<0xFF800000> : vector<1xf32>
      %reduce_max3A_80 = vector.multi_reduction <maximumf>, %div3A_78, %reduce_max3A_79 [1] : vector<1x360xf32> to vector<1xf32>
      %max3A_81 = arith.constant 0xFF800000 : f32
      %max3A_82 = vector.broadcast %max3A_81 : f32 to vector<1xf32>
      %max3A_83 = arith.maximumf %max3A_82, %reduce_max3A_80 : vector<1xf32>
      %broadcast_in_dim3A_84 = vector.shape_cast %max3A_83 : vector<1xf32> to vector<1x1xf32>
      %sub3A_85 = vector.broadcast %broadcast_in_dim3A_84 : vector<1x1xf32> to vector<1x360xf32>
      %sub3A_86 = arith.subf %div3A_78, %sub3A_85 : vector<1x360xf32>
      %exp3A_87 = math.exp %sub3A_86 : vector<1x360xf32>
      %reduce_sum3A_88 = arith.constant dense<0.000000e+00> : vector<1xf32>
      %reduce_sum3A_89 = vector.multi_reduction <add>, %exp3A_87, %reduce_sum3A_88 [1] : vector<1x360xf32> to vector<1xf32>
      %broadcast_in_dim3A_90 = vector.shape_cast %reduce_sum3A_89 : vector<1xf32> to vector<1x1xf32>
      %div3A_91 = vector.broadcast %broadcast_in_dim3A_90 : vector<1x1xf32> to vector<1x360xf32>
      %div3A_92 = arith.divf %exp3A_87, %div3A_91 : vector<1x360xf32>
      %mul3A_93 = arith.constant 8 : i32
      %mul3A_94 = arith.muli %arg0, %mul3A_93 : i32
      %add3A_95 = arith.constant 1 : i32
      %add3A_96 = arith.addi %mul3A_94, %add3A_95 : i32
      %swap3A_97 = arith.index_cast %add3A_96 : i32 to index
      %swap3A_98 = arith.constant 0 : index
      %swap3A_99 = arith.constant 0 : index
      %swap3A_100 = vector.load %arg5[%swap3A_97, %swap3A_98, %swap3A_99] : memref<16x1x360xf32, #tpu.memory_space<vmem>>, vector<1x1x360xf32>
      %swap3A_101 = vector.shape_cast %swap3A_100 : vector<1x1x360xf32> to vector<1x360xf32>
      %swap3A_102 = vector.shape_cast %div3A_92 : vector<1x360xf32> to vector<1x1x360xf32>
      tpu.vector_store %arg5[%swap3A_97, %swap3A_98, %swap3A_99], %swap3A_102 {strides = array<i32>} : memref<16x1x360xf32, #tpu.memory_space<vmem>>, vector<1x1x360xf32>,
      %get3A_103 = arith.index_cast %rem3A_0 : i32 to index
      %get3A_104 = arith.constant 2 : index
      %get3A_105 = arith.constant 0 : index
      %get3A_106 = arith.constant 0 : index
      %get3A_107 = vector.load %arg4[%get3A_103, %get3A_104, %get3A_105, %get3A_106] : memref<2x8x360x768xf32, #tpu.memory_space<vmem>>, vector<1x1x360x768xf32>
      %get3A_108 = vector.shape_cast %get3A_107 : vector<1x1x360x768xf32> to vector<360x768xf32>
      %get3A_109 = arith.constant 2 : index
      %get3A_110 = arith.constant 0 : index
      %get3A_111 = arith.constant 0 : index
      %get3A_112 = vector.load %arg2[%get3A_109, %get3A_110, %get3A_111] : memref<8x8x768xf32, #tpu.memory_space<vmem>>, vector<1x1x768xf32>
      %get3A_113 = vector.shape_cast %get3A_112 : vector<1x1x768xf32> to vector<1x768xf32>
      %dot_general3A_114 = arith.constant dense<0.000000e+00> : vector<1x360xf32>
      %dot_general3A_115 = tpu.matmul %get3A_113, %get3A_108, %dot_general3A_114 {dimension_numbers = #tpu.dot_dimension_numbers<[1], [1], [0], [0], [0, 0, 1, 0], [], []>, transpose_lhs_hint = false} : vector<1x768xf32>, vector<360x768xf32>, vector<1x360xf32> -> vector<1x360xf32>
      %div3A_116 = arith.constant 27.7128124 : f32
      %div3A_117 = vector.broadcast %div3A_116 : f32 to vector<1x360xf32>
      %div3A_118 = arith.divf %dot_general3A_115, %div3A_117 : vector<1x360xf32>
      %reduce_max3A_119 = arith.constant dense<0xFF800000> : vector<1xf32>
      %reduce_max3A_120 = vector.multi_reduction <maximumf>, %div3A_118, %reduce_max3A_119 [1] : vector<1x360xf32> to vector<1xf32>
      %max3A_121 = arith.constant 0xFF800000 : f32
      %max3A_122 = vector.broadcast %max3A_121 : f32 to vector<1xf32>
      %max3A_123 = arith.maximumf %max3A_122, %reduce_max3A_120 : vector<1xf32>
      %broadcast_in_dim3A_124 = vector.shape_cast %max3A_123 : vector<1xf32> to vector<1x1xf32>
      %sub3A_125 = vector.broadcast %broadcast_in_dim3A_124 : vector<1x1xf32> to vector<1x360xf32>
      %sub3A_126 = arith.subf %div3A_118, %sub3A_125 : vector<1x360xf32>
      %exp3A_127 = math.exp %sub3A_126 : vector<1x360xf32>
      %reduce_sum3A_128 = arith.constant dense<0.000000e+00> : vector<1xf32>
      %reduce_sum3A_129 = vector.multi_reduction <add>, %exp3A_127, %reduce_sum3A_128 [1] : vector<1x360xf32> to vector<1xf32>
      %broadcast_in_dim3A_130 = vector.shape_cast %reduce_sum3A_129 : vector<1xf32> to vector<1x1xf32>
      %div3A_131 = vector.broadcast %broadcast_in_dim3A_130 : vector<1x1xf32> to vector<1x360xf32>
      %div3A_132 = arith.divf %exp3A_127, %div3A_131 : vector<1x360xf32>
      %mul3A_133 = arith.constant 8 : i32
      %mul3A_134 = arith.muli %arg0, %mul3A_133 : i32
      %add3A_135 = arith.constant 2 : i32
      %add3A_136 = arith.addi %mul3A_134, %add3A_135 : i32
      %swap3A_137 = arith.index_cast %add3A_136 : i32 to index
      %swap3A_138 = arith.constant 0 : index
      %swap3A_139 = arith.constant 0 : index
      %swap3A_140 = vector.load %arg5[%swap3A_137, %swap3A_138, %swap3A_139] : memref<16x1x360xf32, #tpu.memory_space<vmem>>, vector<1x1x360xf32>
      %swap3A_141 = vector.shape_cast %swap3A_140 : vector<1x1x360xf32> to vector<1x360xf32>
      %swap3A_142 = vector.shape_cast %div3A_132 : vector<1x360xf32> to vector<1x1x360xf32>
      tpu.vector_store %arg5[%swap3A_137, %swap3A_138, %swap3A_139], %swap3A_142 {strides = array<i32>} : memref<16x1x360xf32, #tpu.memory_space<vmem>>, vector<1x1x360xf32>,
      %get3A_143 = arith.index_cast %rem3A_0 : i32 to index
      %get3A_144 = arith.constant 3 : index
      %get3A_145 = arith.constant 0 : index
      %get3A_146 = arith.constant 0 : index
      %get3A_147 = vector.load %arg4[%get3A_143, %get3A_144, %get3A_145, %get3A_146] : memref<2x8x360x768xf32, #tpu.memory_space<vmem>>, vector<1x1x360x768xf32>
      %get3A_148 = vector.shape_cast %get3A_147 : vector<1x1x360x768xf32> to vector<360x768xf32>
      %get3A_149 = arith.constant 3 : index
      %get3A_150 = arith.constant 0 : index
      %get3A_151 = arith.constant 0 : index
      %get3A_152 = vector.load %arg2[%get3A_149, %get3A_150, %get3A_151] : memref<8x8x768xf32, #tpu.memory_space<vmem>>, vector<1x1x768xf32>
      %get3A_153 = vector.shape_cast %get3A_152 : vector<1x1x768xf32> to vector<1x768xf32>
      %dot_general3A_154 = arith.constant dense<0.000000e+00> : vector<1x360xf32>
      %dot_general3A_155 = tpu.matmul %get3A_153, %get3A_148, %dot_general3A_154 {dimension_numbers = #tpu.dot_dimension_numbers<[1], [1], [0], [0], [0, 0, 1, 0], [], []>, transpose_lhs_hint = false} : vector<1x768xf32>, vector<360x768xf32>, vector<1x360xf32> -> vector<1x360xf32>
      %div3A_156 = arith.constant 27.7128124 : f32
      %div3A_157 = vector.broadcast %div3A_156 : f32 to vector<1x360xf32>
      %div3A_158 = arith.divf %dot_general3A_155, %div3A_157 : vector<1x360xf32>
      %reduce_max3A_159 = arith.constant dense<0xFF800000> : vector<1xf32>
      %reduce_max3A_160 = vector.multi_reduction <maximumf>, %div3A_158, %reduce_max3A_159 [1] : vector<1x360xf32> to vector<1xf32>
      %max3A_161 = arith.constant 0xFF800000 : f32
      %max3A_162 = vector.broadcast %max3A_161 : f32 to vector<1xf32>
      %max3A_163 = arith.maximumf %max3A_162, %reduce_max3A_160 : vector<1xf32>
      %broadcast_in_dim3A_164 = vector.shape_cast %max3A_163 : vector<1xf32> to vector<1x1xf32>
      %sub3A_165 = vector.broadcast %broadcast_in_dim3A_164 : vector<1x1xf32> to vector<1x360xf32>
      %sub3A_166 = arith.subf %div3A_158, %sub3A_165 : vector<1x360xf32>
      %exp3A_167 = math.exp %sub3A_166 : vector<1x360xf32>
      %reduce_sum3A_168 = arith.constant dense<0.000000e+00> : vector<1xf32>
      %reduce_sum3A_169 = vector.multi_reduction <add>, %exp3A_167, %reduce_sum3A_168 [1] : vector<1x360xf32> to vector<1xf32>
      %broadcast_in_dim3A_170 = vector.shape_cast %reduce_sum3A_169 : vector<1xf32> to vector<1x1xf32>
      %div3A_171 = vector.broadcast %broadcast_in_dim3A_170 : vector<1x1xf32> to vector<1x360xf32>
      %div3A_172 = arith.divf %exp3A_167, %div3A_171 : vector<1x360xf32>
      %mul3A_173 = arith.constant 8 : i32
      %mul3A_174 = arith.muli %arg0, %mul3A_173 : i32
      %add3A_175 = arith.constant 3 : i32
      %add3A_176 = arith.addi %mul3A_174, %add3A_175 : i32
      %swap3A_177 = arith.index_cast %add3A_176 : i32 to index
      %swap3A_178 = arith.constant 0 : index
      %swap3A_179 = arith.constant 0 : index
      %swap3A_180 = vector.load %arg5[%swap3A_177, %swap3A_178, %swap3A_179] : memref<16x1x360xf32, #tpu.memory_space<vmem>>, vector<1x1x360xf32>
      %swap3A_181 = vector.shape_cast %swap3A_180 : vector<1x1x360xf32> to vector<1x360xf32>
      %swap3A_182 = vector.shape_cast %div3A_172 : vector<1x360xf32> to vector<1x1x360xf32>
      tpu.vector_store %arg5[%swap3A_177, %swap3A_178, %swap3A_179], %swap3A_182 {strides = array<i32>} : memref<16x1x360xf32, #tpu.memory_space<vmem>>, vector<1x1x360xf32>,
      %get3A_183 = arith.index_cast %rem3A_0 : i32 to index
      %get3A_184 = arith.constant 4 : index
      %get3A_185 = arith.constant 0 : index
      %get3A_186 = arith.constant 0 : index
      %get3A_187 = vector.load %arg4[%get3A_183, %get3A_184, %get3A_185, %get3A_186] : memref<2x8x360x768xf32, #tpu.memory_space<vmem>>, vector<1x1x360x768xf32>
      %get3A_188 = vector.shape_cast %get3A_187 : vector<1x1x360x768xf32> to vector<360x768xf32>
      %get3A_189 = arith.constant 4 : index
      %get3A_190 = arith.constant 0 : index
      %get3A_191 = arith.constant 0 : index
      %get3A_192 = vector.load %arg2[%get3A_189, %get3A_190, %get3A_191] : memref<8x8x768xf32, #tpu.memory_space<vmem>>, vector<1x1x768xf32>
      %get3A_193 = vector.shape_cast %get3A_192 : vector<1x1x768xf32> to vector<1x768xf32>
      %dot_general3A_194 = arith.constant dense<0.000000e+00> : vector<1x360xf32>
      %dot_general3A_195 = tpu.matmul %get3A_193, %get3A_188, %dot_general3A_194 {dimension_numbers = #tpu.dot_dimension_numbers<[1], [1], [0], [0], [0, 0, 1, 0], [], []>, transpose_lhs_hint = false} : vector<1x768xf32>, vector<360x768xf32>, vector<1x360xf32> -> vector<1x360xf32>
      %div3A_196 = arith.constant 27.7128124 : f32
      %div3A_197 = vector.broadcast %div3A_196 : f32 to vector<1x360xf32>
      %div3A_198 = arith.divf %dot_general3A_195, %div3A_197 : vector<1x360xf32>
      %reduce_max3A_199 = arith.constant dense<0xFF800000> : vector<1xf32>
      %reduce_max3A_200 = vector.multi_reduction <maximumf>, %div3A_198, %reduce_max3A_199 [1] : vector<1x360xf32> to vector<1xf32>
      %max3A_201 = arith.constant 0xFF800000 : f32
      %max3A_202 = vector.broadcast %max3A_201 : f32 to vector<1xf32>
      %max3A_203 = arith.maximumf %max3A_202, %reduce_max3A_200 : vector<1xf32>
      %broadcast_in_dim3A_204 = vector.shape_cast %max3A_203 : vector<1xf32> to vector<1x1xf32>
      %sub3A_205 = vector.broadcast %broadcast_in_dim3A_204 : vector<1x1xf32> to vector<1x360xf32>
      %sub3A_206 = arith.subf %div3A_198, %sub3A_205 : vector<1x360xf32>
      %exp3A_207 = math.exp %sub3A_206 : vector<1x360xf32>
      %reduce_sum3A_208 = arith.constant dense<0.000000e+00> : vector<1xf32>
      %reduce_sum3A_209 = vector.multi_reduction <add>, %exp3A_207, %reduce_sum3A_208 [1] : vector<1x360xf32> to vector<1xf32>
      %broadcast_in_dim3A_210 = vector.shape_cast %reduce_sum3A_209 : vector<1xf32> to vector<1x1xf32>
      %div3A_211 = vector.broadcast %broadcast_in_dim3A_210 : vector<1x1xf32> to vector<1x360xf32>
      %div3A_212 = arith.divf %exp3A_207, %div3A_211 : vector<1x360xf32>
      %mul3A_213 = arith.constant 8 : i32
      %mul3A_214 = arith.muli %arg0, %mul3A_213 : i32
      %add3A_215 = arith.constant 4 : i32
      %add3A_216 = arith.addi %mul3A_214, %add3A_215 : i32
      %swap3A_217 = arith.index_cast %add3A_216 : i32 to index
      %swap3A_218 = arith.constant 0 : index
      %swap3A_219 = arith.constant 0 : index
      %swap3A_220 = vector.load %arg5[%swap3A_217, %swap3A_218, %swap3A_219] : memref<16x1x360xf32, #tpu.memory_space<vmem>>, vector<1x1x360xf32>
      %swap3A_221 = vector.shape_cast %swap3A_220 : vector<1x1x360xf32> to vector<1x360xf32>
      %swap3A_222 = vector.shape_cast %div3A_212 : vector<1x360xf32> to vector<1x1x360xf32>
      tpu.vector_store %arg5[%swap3A_217, %swap3A_218, %swap3A_219], %swap3A_222 {strides = array<i32>} : memref<16x1x360xf32, #tpu.memory_space<vmem>>, vector<1x1x360xf32>,
      %get3A_223 = arith.index_cast %rem3A_0 : i32 to index
      %get3A_224 = arith.constant 5 : index
      %get3A_225 = arith.constant 0 : index
      %get3A_226 = arith.constant 0 : index
      %get3A_227 = vector.load %arg4[%get3A_223, %get3A_224, %get3A_225, %get3A_226] : memref<2x8x360x768xf32, #tpu.memory_space<vmem>>, vector<1x1x360x768xf32>
      %get3A_228 = vector.shape_cast %get3A_227 : vector<1x1x360x768xf32> to vector<360x768xf32>
      %get3A_229 = arith.constant 5 : index
      %get3A_230 = arith.constant 0 : index
      %get3A_231 = arith.constant 0 : index
      %get3A_232 = vector.load %arg2[%get3A_229, %get3A_230, %get3A_231] : memref<8x8x768xf32, #tpu.memory_space<vmem>>, vector<1x1x768xf32>
      %get3A_233 = vector.shape_cast %get3A_232 : vector<1x1x768xf32> to vector<1x768xf32>
      %dot_general3A_234 = arith.constant dense<0.000000e+00> : vector<1x360xf32>
      %dot_general3A_235 = tpu.matmul %get3A_233, %get3A_228, %dot_general3A_234 {dimension_numbers = #tpu.dot_dimension_numbers<[1], [1], [0], [0], [0, 0, 1, 0], [], []>, transpose_lhs_hint = false} : vector<1x768xf32>, vector<360x768xf32>, vector<1x360xf32> -> vector<1x360xf32>
      %div3A_236 = arith.constant 27.7128124 : f32
      %div3A_237 = vector.broadcast %div3A_236 : f32 to vector<1x360xf32>
      %div3A_238 = arith.divf %dot_general3A_235, %div3A_237 : vector<1x360xf32>
      %reduce_max3A_239 = arith.constant dense<0xFF800000> : vector<1xf32>
      %reduce_max3A_240 = vector.multi_reduction <maximumf>, %div3A_238, %reduce_max3A_239 [1] : vector<1x360xf32> to vector<1xf32>
      %max3A_241 = arith.constant 0xFF800000 : f32
      %max3A_242 = vector.broadcast %max3A_241 : f32 to vector<1xf32>
      %max3A_243 = arith.maximumf %max3A_242, %reduce_max3A_240 : vector<1xf32>
      %broadcast_in_dim3A_244 = vector.shape_cast %max3A_243 : vector<1xf32> to vector<1x1xf32>
      %sub3A_245 = vector.broadcast %broadcast_in_dim3A_244 : vector<1x1xf32> to vector<1x360xf32>
      %sub3A_246 = arith.subf %div3A_238, %sub3A_245 : vector<1x360xf32>
      %exp3A_247 = math.exp %sub3A_246 : vector<1x360xf32>
      %reduce_sum3A_248 = arith.constant dense<0.000000e+00> : vector<1xf32>
      %reduce_sum3A_249 = vector.multi_reduction <add>, %exp3A_247, %reduce_sum3A_248 [1] : vector<1x360xf32> to vector<1xf32>
      %broadcast_in_dim3A_250 = vector.shape_cast %reduce_sum3A_249 : vector<1xf32> to vector<1x1xf32>
      %div3A_251 = vector.broadcast %broadcast_in_dim3A_250 : vector<1x1xf32> to vector<1x360xf32>
      %div3A_252 = arith.divf %exp3A_247, %div3A_251 : vector<1x360xf32>
      %mul3A_253 = arith.constant 8 : i32
      %mul3A_254 = arith.muli %arg0, %mul3A_253 : i32
      %add3A_255 = arith.constant 5 : i32
      %add3A_256 = arith.addi %mul3A_254, %add3A_255 : i32
      %swap3A_257 = arith.index_cast %add3A_256 : i32 to index
      %swap3A_258 = arith.constant 0 : index
      %swap3A_259 = arith.constant 0 : index
      %swap3A_260 = vector.load %arg5[%swap3A_257, %swap3A_258, %swap3A_259] : memref<16x1x360xf32, #tpu.memory_space<vmem>>, vector<1x1x360xf32>
      %swap3A_261 = vector.shape_cast %swap3A_260 : vector<1x1x360xf32> to vector<1x360xf32>
      %swap3A_262 = vector.shape_cast %div3A_252 : vector<1x360xf32> to vector<1x1x360xf32>
      tpu.vector_store %arg5[%swap3A_257, %swap3A_258, %swap3A_259], %swap3A_262 {strides = array<i32>} : memref<16x1x360xf32, #tpu.memory_space<vmem>>, vector<1x1x360xf32>,
      %get3A_263 = arith.index_cast %rem3A_0 : i32 to index
      %get3A_264 = arith.constant 6 : index
      %get3A_265 = arith.constant 0 : index
      %get3A_266 = arith.constant 0 : index
      %get3A_267 = vector.load %arg4[%get3A_263, %get3A_264, %get3A_265, %get3A_266] : memref<2x8x360x768xf32, #tpu.memory_space<vmem>>, vector<1x1x360x768xf32>
      %get3A_268 = vector.shape_cast %get3A_267 : vector<1x1x360x768xf32> to vector<360x768xf32>
      %get3A_269 = arith.constant 6 : index
      %get3A_270 = arith.constant 0 : index
      %get3A_271 = arith.constant 0 : index
      %get3A_272 = vector.load %arg2[%get3A_269, %get3A_270, %get3A_271] : memref<8x8x768xf32, #tpu.memory_space<vmem>>, vector<1x1x768xf32>
      %get3A_273 = vector.shape_cast %get3A_272 : vector<1x1x768xf32> to vector<1x768xf32>
      %dot_general3A_274 = arith.constant dense<0.000000e+00> : vector<1x360xf32>
      %dot_general3A_275 = tpu.matmul %get3A_273, %get3A_268, %dot_general3A_274 {dimension_numbers = #tpu.dot_dimension_numbers<[1], [1], [0], [0], [0, 0, 1, 0], [], []>, transpose_lhs_hint = false} : vector<1x768xf32>, vector<360x768xf32>, vector<1x360xf32> -> vector<1x360xf32>
      %div3A_276 = arith.constant 27.7128124 : f32
      %div3A_277 = vector.broadcast %div3A_276 : f32 to vector<1x360xf32>
      %div3A_278 = arith.divf %dot_general3A_275, %div3A_277 : vector<1x360xf32>
      %reduce_max3A_279 = arith.constant dense<0xFF800000> : vector<1xf32>
      %reduce_max3A_280 = vector.multi_reduction <maximumf>, %div3A_278, %reduce_max3A_279 [1] : vector<1x360xf32> to vector<1xf32>
      %max3A_281 = arith.constant 0xFF800000 : f32
      %max3A_282 = vector.broadcast %max3A_281 : f32 to vector<1xf32>
      %max3A_283 = arith.maximumf %max3A_282, %reduce_max3A_280 : vector<1xf32>
      %broadcast_in_dim3A_284 = vector.shape_cast %max3A_283 : vector<1xf32> to vector<1x1xf32>
      %sub3A_285 = vector.broadcast %broadcast_in_dim3A_284 : vector<1x1xf32> to vector<1x360xf32>
      %sub3A_286 = arith.subf %div3A_278, %sub3A_285 : vector<1x360xf32>
      %exp3A_287 = math.exp %sub3A_286 : vector<1x360xf32>
      %reduce_sum3A_288 = arith.constant dense<0.000000e+00> : vector<1xf32>
      %reduce_sum3A_289 = vector.multi_reduction <add>, %exp3A_287, %reduce_sum3A_288 [1] : vector<1x360xf32> to vector<1xf32>
      %broadcast_in_dim3A_290 = vector.shape_cast %reduce_sum3A_289 : vector<1xf32> to vector<1x1xf32>
      %div3A_291 = vector.broadcast %broadcast_in_dim3A_290 : vector<1x1xf32> to vector<1x360xf32>
      %div3A_292 = arith.divf %exp3A_287, %div3A_291 : vector<1x360xf32>
      %mul3A_293 = arith.constant 8 : i32
      %mul3A_294 = arith.muli %arg0, %mul3A_293 : i32
      %add3A_295 = arith.constant 6 : i32
      %add3A_296 = arith.addi %mul3A_294, %add3A_295 : i32
      %swap3A_297 = arith.index_cast %add3A_296 : i32 to index
      %swap3A_298 = arith.constant 0 : index
      %swap3A_299 = arith.constant 0 : index
      %swap3A_300 = vector.load %arg5[%swap3A_297, %swap3A_298, %swap3A_299] : memref<16x1x360xf32, #tpu.memory_space<vmem>>, vector<1x1x360xf32>
      %swap3A_301 = vector.shape_cast %swap3A_300 : vector<1x1x360xf32> to vector<1x360xf32>
      %swap3A_302 = vector.shape_cast %div3A_292 : vector<1x360xf32> to vector<1x1x360xf32>
      tpu.vector_store %arg5[%swap3A_297, %swap3A_298, %swap3A_299], %swap3A_302 {strides = array<i32>} : memref<16x1x360xf32, #tpu.memory_space<vmem>>, vector<1x1x360xf32>,
      %get3A_303 = arith.index_cast %rem3A_0 : i32 to index
      %get3A_304 = arith.constant 7 : index
      %get3A_305 = arith.constant 0 : index
      %get3A_306 = arith.constant 0 : index
      %get3A_307 = vector.load %arg4[%get3A_303, %get3A_304, %get3A_305, %get3A_306] : memref<2x8x360x768xf32, #tpu.memory_space<vmem>>, vector<1x1x360x768xf32>
      %get3A_308 = vector.shape_cast %get3A_307 : vector<1x1x360x768xf32> to vector<360x768xf32>
      %get3A_309 = arith.constant 7 : index
      %get3A_310 = arith.constant 0 : index
      %get3A_311 = arith.constant 0 : index
      %get3A_312 = vector.load %arg2[%get3A_309, %get3A_310, %get3A_311] : memref<8x8x768xf32, #tpu.memory_space<vmem>>, vector<1x1x768xf32>
      %get3A_313 = vector.shape_cast %get3A_312 : vector<1x1x768xf32> to vector<1x768xf32>
      %dot_general3A_314 = arith.constant dense<0.000000e+00> : vector<1x360xf32>
      %dot_general3A_315 = tpu.matmul %get3A_313, %get3A_308, %dot_general3A_314 {dimension_numbers = #tpu.dot_dimension_numbers<[1], [1], [0], [0], [0, 0, 1, 0], [], []>, transpose_lhs_hint = false} : vector<1x768xf32>, vector<360x768xf32>, vector<1x360xf32> -> vector<1x360xf32>
      %div3A_316 = arith.constant 27.7128124 : f32
      %div3A_317 = vector.broadcast %div3A_316 : f32 to vector<1x360xf32>
      %div3A_318 = arith.divf %dot_general3A_315, %div3A_317 : vector<1x360xf32>
      %reduce_max3A_319 = arith.constant dense<0xFF800000> : vector<1xf32>
      %reduce_max3A_320 = vector.multi_reduction <maximumf>, %div3A_318, %reduce_max3A_319 [1] : vector<1x360xf32> to vector<1xf32>
      %max3A_321 = arith.constant 0xFF800000 : f32
      %max3A_322 = vector.broadcast %max3A_321 : f32 to vector<1xf32>
      %max3A_323 = arith.maximumf %max3A_322, %reduce_max3A_320 : vector<1xf32>
      %broadcast_in_dim3A_324 = vector.shape_cast %max3A_323 : vector<1xf32> to vector<1x1xf32>
      %sub3A_325 = vector.broadcast %broadcast_in_dim3A_324 : vector<1x1xf32> to vector<1x360xf32>
      %sub3A_326 = arith.subf %div3A_318, %sub3A_325 : vector<1x360xf32>
      %exp3A_327 = math.exp %sub3A_326 : vector<1x360xf32>
      %reduce_sum3A_328 = arith.constant dense<0.000000e+00> : vector<1xf32>
      %reduce_sum3A_329 = vector.multi_reduction <add>, %exp3A_327, %reduce_sum3A_328 [1] : vector<1x360xf32> to vector<1xf32>
      %broadcast_in_dim3A_330 = vector.shape_cast %reduce_sum3A_329 : vector<1xf32> to vector<1x1xf32>
      %div3A_331 = vector.broadcast %broadcast_in_dim3A_330 : vector<1x1xf32> to vector<1x360xf32>
      %div3A_332 = arith.divf %exp3A_327, %div3A_331 : vector<1x360xf32>
      %mul3A_333 = arith.constant 8 : i32
      %mul3A_334 = arith.muli %arg0, %mul3A_333 : i32
      %add3A_335 = arith.constant 7 : i32
      %add3A_336 = arith.addi %mul3A_334, %add3A_335 : i32
      %swap3A_337 = arith.index_cast %add3A_336 : i32 to index
      %swap3A_338 = arith.constant 0 : index
      %swap3A_339 = arith.constant 0 : index
      %swap3A_340 = vector.load %arg5[%swap3A_337, %swap3A_338, %swap3A_339] : memref<16x1x360xf32, #tpu.memory_space<vmem>>, vector<1x1x360xf32>
      %swap3A_341 = vector.shape_cast %swap3A_340 : vector<1x1x360xf32> to vector<1x360xf32>
      %swap3A_342 = vector.shape_cast %div3A_332 : vector<1x360xf32> to vector<1x1x360xf32>
      tpu.vector_store %arg5[%swap3A_337, %swap3A_338, %swap3A_339], %swap3A_342 {strides = array<i32>} : memref<16x1x360xf32, #tpu.memory_space<vmem>>, vector<1x1x360xf32>,
    } else {
    }
    %ge3A = arith.constant 2 : i32
    %ge3A_17 = arith.cmpi sge, %arg0, %ge3A : i32
    %convert_element_type3A_18 = arith.extui %ge3A_17 : i1 to i32
    %cond3A_19 = arith.constant 0 : i32
    %cond3A_20 = arith.cmpi ne, %convert_element_type3A_18, %cond3A_19 : i32
    scf.if %cond3A_20 {
      %get3A = arith.constant 0 : index
      %get3A_21 = arith.constant 0 : index
      %get3A_22 = arith.constant 0 : index
      %get3A_23 = vector.load %arg5[%get3A, %get3A_21, %get3A_22] : memref<16x1x360xf32, #tpu.memory_space<vmem>>, vector<16x1x360xf32>
      %reduce_max3A = vector.shape_cast %get3A_23 : vector<16x1x360xf32> to vector<1x16x1x360xf32>
      %reduce_max3A_24 = arith.constant dense<0xFF800000> : vector<1xf32>
      %reduce_max3A_25 = vector.multi_reduction <maximumf>, %reduce_max3A, %reduce_max3A_24 [1, 2, 3] : vector<1x16x1x360xf32> to vector<1xf32>
      %reduce_max3A_26 = vector.shape_cast %reduce_max3A_25 : vector<1xf32> to vector<1x1x1x1xf32>
      %reduce_max3A_27 = vector.extract %reduce_max3A_26[0, 0, 0, 0] : f32 from vector<1x1x1x1xf32>
      %iota3A = tpu.iota {dimensions = array<i32: 0>} : vector<360x360xi32>
      %iota3A_28 = tpu.iota {dimensions = array<i32: 1>} : vector<360x360xi32>
      %iota3A_29 = tpu.iota {dimensions = array<i32: 0>} : vector<120x360xi32>
      %iota3A_30 = tpu.iota {dimensions = array<i32: 1>} : vector<120x360xi32>
      %sub3A = arith.constant 2 : i32
      %sub3A_31 = arith.subi %arg0, %sub3A : i32
      %mul3A = arith.constant 8 : i32
      %mul3A_32 = arith.muli %sub3A_31, %mul3A : i32
      %add3A_33 = arith.constant 0 : i32
      %add3A_34 = arith.addi %mul3A_32, %add3A_33 : i32
      %get3A_35 = arith.index_cast %add3A_34 : i32 to index
      %get3A_36 = arith.constant 0 : index
      %get3A_37 = arith.constant 0 : index
      %get3A_38 = vector.load %arg5[%get3A_35, %get3A_36, %get3A_37] : memref<16x1x360xf32, #tpu.memory_space<vmem>>, vector<1x1x360xf32>
      %get3A_39 = vector.shape_cast %get3A_38 : vector<1x1x360xf32> to vector<1x360xf32>
      %div3A = vector.broadcast %reduce_max3A_27 : f32 to vector<1x360xf32>
      %div3A_40 = arith.divf %get3A_39, %div3A : vector<1x360xf32>
      %transpose3A = tpu.transpose %div3A_40, [1, 0] : vector<1x360xf32> -> vector<360x1xf32>
      %gt3A = vector.broadcast %transpose3A : vector<360x1xf32> to vector<360x360xf32>
      %gt3A_41 = vector.broadcast %div3A_40 : vector<1x360xf32> to vector<360x360xf32>
      %gt3A_42 = arith.cmpf ogt, %gt3A, %gt3A_41 : vector<360x360xf32>
      %eq3A_43 = vector.broadcast %transpose3A : vector<360x1xf32> to vector<360x360xf32>
      %eq3A_44 = vector.broadcast %div3A_40 : vector<1x360xf32> to vector<360x360xf32>
      %eq3A_45 = arith.cmpf oeq, %eq3A_43, %eq3A_44 : vector<360x360xf32>
      %lt3A_46 = arith.cmpi slt, %iota3A, %iota3A_28 : vector<360x360xi32>
      %and3A = arith.andi %eq3A_45, %lt3A_46 : vector<360x360xi1>
      %or3A = arith.ori %gt3A_42, %and3A : vector<360x360xi1>
      %convert_element_type3A_47 = arith.extui %or3A : vector<360x360xi1> to vector<360x360xi32>
      %reduce_sum3A = arith.constant dense<0> : vector<360xi32>
      %reduce_sum3A_48 = vector.multi_reduction <add>, %convert_element_type3A_47, %reduce_sum3A [0] : vector<360x360xi32> to vector<360xi32>
      %broadcast_in_dim3A = vector.shape_cast %reduce_sum3A_48 : vector<360xi32> to vector<1x360xi32>
      %eq3A_49 = vector.broadcast %broadcast_in_dim3A : vector<1x360xi32> to vector<120x360xi32>
      %eq3A_50 = arith.cmpi eq, %iota3A_29, %eq3A_49 : vector<120x360xi32>
      %convert_element_type3A_51 = arith.extui %eq3A_50 : vector<120x360xi1> to vector<120x360xi32>
      %mul3A_52 = arith.muli %convert_element_type3A_51, %iota3A_30 : vector<120x360xi32>
      %reduce_sum3A_53 = arith.constant dense<0> : vector<120xi32>
      %reduce_sum3A_54 = vector.multi_reduction <add>, %mul3A_52, %reduce_sum3A_53 [1] : vector<120x360xi32> to vector<120xi32>
      %broadcast_in_dim3A_55 = vector.shape_cast %reduce_sum3A_54 : vector<120xi32> to vector<120x1xi32>
      %mul3A_56 = arith.constant 2880 : i32
      %mul3A_57 = arith.muli %add3A_34, %mul3A_56 : i32
      %mul3A_58 = arith.constant 8 : i32
      %mul3A_59 = vector.broadcast %mul3A_58 : i32 to vector<120x1xi32>
      %mul3A_60 = arith.muli %broadcast_in_dim3A_55, %mul3A_59 : vector<120x1xi32>
      %add3A_61 = vector.broadcast %mul3A_57 : i32 to vector<120x1xi32>
      %add3A_62 = arith.addi %add3A_61, %mul3A_60 : vector<120x1xi32>
      %swap3A = arith.constant 0 : index
      %swap3A_63 = arith.constant 0 : index
      %swap3A_64 = arith.constant 0 : index
      %swap3A_65 = vector.load %arg3[%swap3A, %swap3A_63, %swap3A_64] : memref<8x128x1xi32, #tpu.memory_space<vmem>>, vector<1x120x1xi32>
      %swap3A_66 = vector.shape_cast %swap3A_65 : vector<1x120x1xi32> to vector<120x1xi32>
      %swap3A_67 = vector.shape_cast %add3A_62 : vector<120x1xi32> to vector<1x120x1xi32>
      tpu.vector_store %arg3[%swap3A, %swap3A_63, %swap3A_64], %swap3A_67 {strides = array<i32>} : memref<8x128x1xi32, #tpu.memory_space<vmem>>, vector<1x120x1xi32>,
      %broadcast_in_dim3A_68 = arith.constant 0 : i32
      %broadcast_in_dim3A_69 = vector.broadcast %broadcast_in_dim3A_68 : i32 to vector<8x1xi32>
      %swap3A_70 = arith.constant 0 : index
      %swap3A_71 = arith.constant 120 : index
      %swap3A_72 = arith.constant 0 : index
      %swap3A_73 = vector.load %arg3[%swap3A_70, %swap3A_71, %swap3A_72] : memref<8x128x1xi32, #tpu.memory_space<vmem>>, vector<1x8x1xi32>
      %swap3A_74 = vector.shape_cast %swap3A_73 : vector<1x8x1xi32> to vector<8x1xi32>
      %swap3A_75 = vector.shape_cast %broadcast_in_dim3A_69 : vector<8x1xi32> to vector<1x8x1xi32>
      tpu.vector_store %arg3[%swap3A_70, %swap3A_71, %swap3A_72], %swap3A_75 {strides = array<i32>} : memref<8x128x1xi32, #tpu.memory_space<vmem>>, vector<1x8x1xi32>,
      %sub3A_76 = arith.constant 2 : i32
      %sub3A_77 = arith.subi %arg0, %sub3A_76 : i32
      %mul3A_78 = arith.constant 8 : i32
      %mul3A_79 = arith.muli %sub3A_77, %mul3A_78 : i32
      %add3A_80 = arith.constant 1 : i32
      %add3A_81 = arith.addi %mul3A_79, %add3A_80 : i32
      %get3A_82 = arith.index_cast %add3A_81 : i32 to index
      %get3A_83 = arith.constant 0 : index
      %get3A_84 = arith.constant 0 : index
      %get3A_85 = vector.load %arg5[%get3A_82, %get3A_83, %get3A_84] : memref<16x1x360xf32, #tpu.memory_space<vmem>>, vector<1x1x360xf32>
      %get3A_86 = vector.shape_cast %get3A_85 : vector<1x1x360xf32> to vector<1x360xf32>
      %div3A_87 = vector.broadcast %reduce_max3A_27 : f32 to vector<1x360xf32>
      %div3A_88 = arith.divf %get3A_86, %div3A_87 : vector<1x360xf32>
      %transpose3A_89 = tpu.transpose %div3A_88, [1, 0] : vector<1x360xf32> -> vector<360x1xf32>
      %gt3A_90 = vector.broadcast %transpose3A_89 : vector<360x1xf32> to vector<360x360xf32>
      %gt3A_91 = vector.broadcast %div3A_88 : vector<1x360xf32> to vector<360x360xf32>
      %gt3A_92 = arith.cmpf ogt, %gt3A_90, %gt3A_91 : vector<360x360xf32>
      %eq3A_93 = vector.broadcast %transpose3A_89 : vector<360x1xf32> to vector<360x360xf32>
      %eq3A_94 = vector.broadcast %div3A_88 : vector<1x360xf32> to vector<360x360xf32>
      %eq3A_95 = arith.cmpf oeq, %eq3A_93, %eq3A_94 : vector<360x360xf32>
      %lt3A_96 = arith.cmpi slt, %iota3A, %iota3A_28 : vector<360x360xi32>
      %and3A_97 = arith.andi %eq3A_95, %lt3A_96 : vector<360x360xi1>
      %or3A_98 = arith.ori %gt3A_92, %and3A_97 : vector<360x360xi1>
      %convert_element_type3A_99 = arith.extui %or3A_98 : vector<360x360xi1> to vector<360x360xi32>
      %reduce_sum3A_100 = arith.constant dense<0> : vector<360xi32>
      %reduce_sum3A_101 = vector.multi_reduction <add>, %convert_element_type3A_99, %reduce_sum3A_100 [0] : vector<360x360xi32> to vector<360xi32>
      %broadcast_in_dim3A_102 = vector.shape_cast %reduce_sum3A_101 : vector<360xi32> to vector<1x360xi32>
      %eq3A_103 = vector.broadcast %broadcast_in_dim3A_102 : vector<1x360xi32> to vector<120x360xi32>
      %eq3A_104 = arith.cmpi eq, %iota3A_29, %eq3A_103 : vector<120x360xi32>
      %convert_element_type3A_105 = arith.extui %eq3A_104 : vector<120x360xi1> to vector<120x360xi32>
      %mul3A_106 = arith.muli %convert_element_type3A_105, %iota3A_30 : vector<120x360xi32>
      %reduce_sum3A_107 = arith.constant dense<0> : vector<120xi32>
      %reduce_sum3A_108 = vector.multi_reduction <add>, %mul3A_106, %reduce_sum3A_107 [1] : vector<120x360xi32> to vector<120xi32>
      %broadcast_in_dim3A_109 = vector.shape_cast %reduce_sum3A_108 : vector<120xi32> to vector<120x1xi32>
      %mul3A_110 = arith.constant 2880 : i32
      %mul3A_111 = arith.muli %add3A_81, %mul3A_110 : i32
      %mul3A_112 = arith.constant 8 : i32
      %mul3A_113 = vector.broadcast %mul3A_112 : i32 to vector<120x1xi32>
      %mul3A_114 = arith.muli %broadcast_in_dim3A_109, %mul3A_113 : vector<120x1xi32>
      %add3A_115 = vector.broadcast %mul3A_111 : i32 to vector<120x1xi32>
      %add3A_116 = arith.addi %add3A_115, %mul3A_114 : vector<120x1xi32>
      %swap3A_117 = arith.constant 1 : index
      %swap3A_118 = arith.constant 0 : index
      %swap3A_119 = arith.constant 0 : index
      %swap3A_120 = vector.load %arg3[%swap3A_117, %swap3A_118, %swap3A_119] : memref<8x128x1xi32, #tpu.memory_space<vmem>>, vector<1x120x1xi32>
      %swap3A_121 = vector.shape_cast %swap3A_120 : vector<1x120x1xi32> to vector<120x1xi32>
      %swap3A_122 = vector.shape_cast %add3A_116 : vector<120x1xi32> to vector<1x120x1xi32>
      tpu.vector_store %arg3[%swap3A_117, %swap3A_118, %swap3A_119], %swap3A_122 {strides = array<i32>} : memref<8x128x1xi32, #tpu.memory_space<vmem>>, vector<1x120x1xi32>,
      %broadcast_in_dim3A_123 = arith.constant 0 : i32
      %broadcast_in_dim3A_124 = vector.broadcast %broadcast_in_dim3A_123 : i32 to vector<8x1xi32>
      %swap3A_125 = arith.constant 1 : index
      %swap3A_126 = arith.constant 120 : index
      %swap3A_127 = arith.constant 0 : index
      %swap3A_128 = vector.load %arg3[%swap3A_125, %swap3A_126, %swap3A_127] : memref<8x128x1xi32, #tpu.memory_space<vmem>>, vector<1x8x1xi32>
      %swap3A_129 = vector.shape_cast %swap3A_128 : vector<1x8x1xi32> to vector<8x1xi32>
      %swap3A_130 = vector.shape_cast %broadcast_in_dim3A_124 : vector<8x1xi32> to vector<1x8x1xi32>
      tpu.vector_store %arg3[%swap3A_125, %swap3A_126, %swap3A_127], %swap3A_130 {strides = array<i32>} : memref<8x128x1xi32, #tpu.memory_space<vmem>>, vector<1x8x1xi32>,
      %sub3A_131 = arith.constant 2 : i32
      %sub3A_132 = arith.subi %arg0, %sub3A_131 : i32
      %mul3A_133 = arith.constant 8 : i32
      %mul3A_134 = arith.muli %sub3A_132, %mul3A_133 : i32
      %add3A_135 = arith.constant 2 : i32
      %add3A_136 = arith.addi %mul3A_134, %add3A_135 : i32
      %get3A_137 = arith.index_cast %add3A_136 : i32 to index
      %get3A_138 = arith.constant 0 : index
      %get3A_139 = arith.constant 0 : index
      %get3A_140 = vector.load %arg5[%get3A_137, %get3A_138, %get3A_139] : memref<16x1x360xf32, #tpu.memory_space<vmem>>, vector<1x1x360xf32>
      %get3A_141 = vector.shape_cast %get3A_140 : vector<1x1x360xf32> to vector<1x360xf32>
      %div3A_142 = vector.broadcast %reduce_max3A_27 : f32 to vector<1x360xf32>
      %div3A_143 = arith.divf %get3A_141, %div3A_142 : vector<1x360xf32>
      %transpose3A_144 = tpu.transpose %div3A_143, [1, 0] : vector<1x360xf32> -> vector<360x1xf32>
      %gt3A_145 = vector.broadcast %transpose3A_144 : vector<360x1xf32> to vector<360x360xf32>
      %gt3A_146 = vector.broadcast %div3A_143 : vector<1x360xf32> to vector<360x360xf32>
      %gt3A_147 = arith.cmpf ogt, %gt3A_145, %gt3A_146 : vector<360x360xf32>
      %eq3A_148 = vector.broadcast %transpose3A_144 : vector<360x1xf32> to vector<360x360xf32>
      %eq3A_149 = vector.broadcast %div3A_143 : vector<1x360xf32> to vector<360x360xf32>
      %eq3A_150 = arith.cmpf oeq, %eq3A_148, %eq3A_149 : vector<360x360xf32>
      %lt3A_151 = arith.cmpi slt, %iota3A, %iota3A_28 : vector<360x360xi32>
      %and3A_152 = arith.andi %eq3A_150, %lt3A_151 : vector<360x360xi1>
      %or3A_153 = arith.ori %gt3A_147, %and3A_152 : vector<360x360xi1>
      %convert_element_type3A_154 = arith.extui %or3A_153 : vector<360x360xi1> to vector<360x360xi32>
      %reduce_sum3A_155 = arith.constant dense<0> : vector<360xi32>
      %reduce_sum3A_156 = vector.multi_reduction <add>, %convert_element_type3A_154, %reduce_sum3A_155 [0] : vector<360x360xi32> to vector<360xi32>
      %broadcast_in_dim3A_157 = vector.shape_cast %reduce_sum3A_156 : vector<360xi32> to vector<1x360xi32>
      %eq3A_158 = vector.broadcast %broadcast_in_dim3A_157 : vector<1x360xi32> to vector<120x360xi32>
      %eq3A_159 = arith.cmpi eq, %iota3A_29, %eq3A_158 : vector<120x360xi32>
      %convert_element_type3A_160 = arith.extui %eq3A_159 : vector<120x360xi1> to vector<120x360xi32>
      %mul3A_161 = arith.muli %convert_element_type3A_160, %iota3A_30 : vector<120x360xi32>
      %reduce_sum3A_162 = arith.constant dense<0> : vector<120xi32>
      %reduce_sum3A_163 = vector.multi_reduction <add>, %mul3A_161, %reduce_sum3A_162 [1] : vector<120x360xi32> to vector<120xi32>
      %broadcast_in_dim3A_164 = vector.shape_cast %reduce_sum3A_163 : vector<120xi32> to vector<120x1xi32>
      %mul3A_165 = arith.constant 2880 : i32
      %mul3A_166 = arith.muli %add3A_136, %mul3A_165 : i32
      %mul3A_167 = arith.constant 8 : i32
      %mul3A_168 = vector.broadcast %mul3A_167 : i32 to vector<120x1xi32>
      %mul3A_169 = arith.muli %broadcast_in_dim3A_164, %mul3A_168 : vector<120x1xi32>
      %add3A_170 = vector.broadcast %mul3A_166 : i32 to vector<120x1xi32>
      %add3A_171 = arith.addi %add3A_170, %mul3A_169 : vector<120x1xi32>
      %swap3A_172 = arith.constant 2 : index
      %swap3A_173 = arith.constant 0 : index
      %swap3A_174 = arith.constant 0 : index
      %swap3A_175 = vector.load %arg3[%swap3A_172, %swap3A_173, %swap3A_174] : memref<8x128x1xi32, #tpu.memory_space<vmem>>, vector<1x120x1xi32>
      %swap3A_176 = vector.shape_cast %swap3A_175 : vector<1x120x1xi32> to vector<120x1xi32>
      %swap3A_177 = vector.shape_cast %add3A_171 : vector<120x1xi32> to vector<1x120x1xi32>
      tpu.vector_store %arg3[%swap3A_172, %swap3A_173, %swap3A_174], %swap3A_177 {strides = array<i32>} : memref<8x128x1xi32, #tpu.memory_space<vmem>>, vector<1x120x1xi32>,
      %broadcast_in_dim3A_178 = arith.constant 0 : i32
      %broadcast_in_dim3A_179 = vector.broadcast %broadcast_in_dim3A_178 : i32 to vector<8x1xi32>
      %swap3A_180 = arith.constant 2 : index
      %swap3A_181 = arith.constant 120 : index
      %swap3A_182 = arith.constant 0 : index
      %swap3A_183 = vector.load %arg3[%swap3A_180, %swap3A_181, %swap3A_182] : memref<8x128x1xi32, #tpu.memory_space<vmem>>, vector<1x8x1xi32>
      %swap3A_184 = vector.shape_cast %swap3A_183 : vector<1x8x1xi32> to vector<8x1xi32>
      %swap3A_185 = vector.shape_cast %broadcast_in_dim3A_179 : vector<8x1xi32> to vector<1x8x1xi32>
      tpu.vector_store %arg3[%swap3A_180, %swap3A_181, %swap3A_182], %swap3A_185 {strides = array<i32>} : memref<8x128x1xi32, #tpu.memory_space<vmem>>, vector<1x8x1xi32>,
      %sub3A_186 = arith.constant 2 : i32
      %sub3A_187 = arith.subi %arg0, %sub3A_186 : i32
      %mul3A_188 = arith.constant 8 : i32
      %mul3A_189 = arith.muli %sub3A_187, %mul3A_188 : i32
      %add3A_190 = arith.constant 3 : i32
      %add3A_191 = arith.addi %mul3A_189, %add3A_190 : i32
      %get3A_192 = arith.index_cast %add3A_191 : i32 to index
      %get3A_193 = arith.constant 0 : index
      %get3A_194 = arith.constant 0 : index
      %get3A_195 = vector.load %arg5[%get3A_192, %get3A_193, %get3A_194] : memref<16x1x360xf32, #tpu.memory_space<vmem>>, vector<1x1x360xf32>
      %get3A_196 = vector.shape_cast %get3A_195 : vector<1x1x360xf32> to vector<1x360xf32>
      %div3A_197 = vector.broadcast %reduce_max3A_27 : f32 to vector<1x360xf32>
      %div3A_198 = arith.divf %get3A_196, %div3A_197 : vector<1x360xf32>
      %transpose3A_199 = tpu.transpose %div3A_198, [1, 0] : vector<1x360xf32> -> vector<360x1xf32>
      %gt3A_200 = vector.broadcast %transpose3A_199 : vector<360x1xf32> to vector<360x360xf32>
      %gt3A_201 = vector.broadcast %div3A_198 : vector<1x360xf32> to vector<360x360xf32>
      %gt3A_202 = arith.cmpf ogt, %gt3A_200, %gt3A_201 : vector<360x360xf32>
      %eq3A_203 = vector.broadcast %transpose3A_199 : vector<360x1xf32> to vector<360x360xf32>
      %eq3A_204 = vector.broadcast %div3A_198 : vector<1x360xf32> to vector<360x360xf32>
      %eq3A_205 = arith.cmpf oeq, %eq3A_203, %eq3A_204 : vector<360x360xf32>
      %lt3A_206 = arith.cmpi slt, %iota3A, %iota3A_28 : vector<360x360xi32>
      %and3A_207 = arith.andi %eq3A_205, %lt3A_206 : vector<360x360xi1>
      %or3A_208 = arith.ori %gt3A_202, %and3A_207 : vector<360x360xi1>
      %convert_element_type3A_209 = arith.extui %or3A_208 : vector<360x360xi1> to vector<360x360xi32>
      %reduce_sum3A_210 = arith.constant dense<0> : vector<360xi32>
      %reduce_sum3A_211 = vector.multi_reduction <add>, %convert_element_type3A_209, %reduce_sum3A_210 [0] : vector<360x360xi32> to vector<360xi32>
      %broadcast_in_dim3A_212 = vector.shape_cast %reduce_sum3A_211 : vector<360xi32> to vector<1x360xi32>
      %eq3A_213 = vector.broadcast %broadcast_in_dim3A_212 : vector<1x360xi32> to vector<120x360xi32>
      %eq3A_214 = arith.cmpi eq, %iota3A_29, %eq3A_213 : vector<120x360xi32>
      %convert_element_type3A_215 = arith.extui %eq3A_214 : vector<120x360xi1> to vector<120x360xi32>
      %mul3A_216 = arith.muli %convert_element_type3A_215, %iota3A_30 : vector<120x360xi32>
      %reduce_sum3A_217 = arith.constant dense<0> : vector<120xi32>
      %reduce_sum3A_218 = vector.multi_reduction <add>, %mul3A_216, %reduce_sum3A_217 [1] : vector<120x360xi32> to vector<120xi32>
      %broadcast_in_dim3A_219 = vector.shape_cast %reduce_sum3A_218 : vector<120xi32> to vector<120x1xi32>
      %mul3A_220 = arith.constant 2880 : i32
      %mul3A_221 = arith.muli %add3A_191, %mul3A_220 : i32
      %mul3A_222 = arith.constant 8 : i32
      %mul3A_223 = vector.broadcast %mul3A_222 : i32 to vector<120x1xi32>
      %mul3A_224 = arith.muli %broadcast_in_dim3A_219, %mul3A_223 : vector<120x1xi32>
      %add3A_225 = vector.broadcast %mul3A_221 : i32 to vector<120x1xi32>
      %add3A_226 = arith.addi %add3A_225, %mul3A_224 : vector<120x1xi32>
      %swap3A_227 = arith.constant 3 : index
      %swap3A_228 = arith.constant 0 : index
      %swap3A_229 = arith.constant 0 : index
      %swap3A_230 = vector.load %arg3[%swap3A_227, %swap3A_228, %swap3A_229] : memref<8x128x1xi32, #tpu.memory_space<vmem>>, vector<1x120x1xi32>
      %swap3A_231 = vector.shape_cast %swap3A_230 : vector<1x120x1xi32> to vector<120x1xi32>
      %swap3A_232 = vector.shape_cast %add3A_226 : vector<120x1xi32> to vector<1x120x1xi32>
      tpu.vector_store %arg3[%swap3A_227, %swap3A_228, %swap3A_229], %swap3A_232 {strides = array<i32>} : memref<8x128x1xi32, #tpu.memory_space<vmem>>, vector<1x120x1xi32>,
      %broadcast_in_dim3A_233 = arith.constant 0 : i32
      %broadcast_in_dim3A_234 = vector.broadcast %broadcast_in_dim3A_233 : i32 to vector<8x1xi32>
      %swap3A_235 = arith.constant 3 : index
      %swap3A_236 = arith.constant 120 : index
      %swap3A_237 = arith.constant 0 : index
      %swap3A_238 = vector.load %arg3[%swap3A_235, %swap3A_236, %swap3A_237] : memref<8x128x1xi32, #tpu.memory_space<vmem>>, vector<1x8x1xi32>
      %swap3A_239 = vector.shape_cast %swap3A_238 : vector<1x8x1xi32> to vector<8x1xi32>
      %swap3A_240 = vector.shape_cast %broadcast_in_dim3A_234 : vector<8x1xi32> to vector<1x8x1xi32>
      tpu.vector_store %arg3[%swap3A_235, %swap3A_236, %swap3A_237], %swap3A_240 {strides = array<i32>} : memref<8x128x1xi32, #tpu.memory_space<vmem>>, vector<1x8x1xi32>,
      %sub3A_241 = arith.constant 2 : i32
      %sub3A_242 = arith.subi %arg0, %sub3A_241 : i32
      %mul3A_243 = arith.constant 8 : i32
      %mul3A_244 = arith.muli %sub3A_242, %mul3A_243 : i32
      %add3A_245 = arith.constant 4 : i32
      %add3A_246 = arith.addi %mul3A_244, %add3A_245 : i32
      %get3A_247 = arith.index_cast %add3A_246 : i32 to index
      %get3A_248 = arith.constant 0 : index
      %get3A_249 = arith.constant 0 : index
      %get3A_250 = vector.load %arg5[%get3A_247, %get3A_248, %get3A_249] : memref<16x1x360xf32, #tpu.memory_space<vmem>>, vector<1x1x360xf32>
      %get3A_251 = vector.shape_cast %get3A_250 : vector<1x1x360xf32> to vector<1x360xf32>
      %div3A_252 = vector.broadcast %reduce_max3A_27 : f32 to vector<1x360xf32>
      %div3A_253 = arith.divf %get3A_251, %div3A_252 : vector<1x360xf32>
      %transpose3A_254 = tpu.transpose %div3A_253, [1, 0] : vector<1x360xf32> -> vector<360x1xf32>
      %gt3A_255 = vector.broadcast %transpose3A_254 : vector<360x1xf32> to vector<360x360xf32>
      %gt3A_256 = vector.broadcast %div3A_253 : vector<1x360xf32> to vector<360x360xf32>
      %gt3A_257 = arith.cmpf ogt, %gt3A_255, %gt3A_256 : vector<360x360xf32>
      %eq3A_258 = vector.broadcast %transpose3A_254 : vector<360x1xf32> to vector<360x360xf32>
      %eq3A_259 = vector.broadcast %div3A_253 : vector<1x360xf32> to vector<360x360xf32>
      %eq3A_260 = arith.cmpf oeq, %eq3A_258, %eq3A_259 : vector<360x360xf32>
      %lt3A_261 = arith.cmpi slt, %iota3A, %iota3A_28 : vector<360x360xi32>
      %and3A_262 = arith.andi %eq3A_260, %lt3A_261 : vector<360x360xi1>
      %or3A_263 = arith.ori %gt3A_257, %and3A_262 : vector<360x360xi1>
      %convert_element_type3A_264 = arith.extui %or3A_263 : vector<360x360xi1> to vector<360x360xi32>
      %reduce_sum3A_265 = arith.constant dense<0> : vector<360xi32>
      %reduce_sum3A_266 = vector.multi_reduction <add>, %convert_element_type3A_264, %reduce_sum3A_265 [0] : vector<360x360xi32> to vector<360xi32>
      %broadcast_in_dim3A_267 = vector.shape_cast %reduce_sum3A_266 : vector<360xi32> to vector<1x360xi32>
      %eq3A_268 = vector.broadcast %broadcast_in_dim3A_267 : vector<1x360xi32> to vector<120x360xi32>
      %eq3A_269 = arith.cmpi eq, %iota3A_29, %eq3A_268 : vector<120x360xi32>
      %convert_element_type3A_270 = arith.extui %eq3A_269 : vector<120x360xi1> to vector<120x360xi32>
      %mul3A_271 = arith.muli %convert_element_type3A_270, %iota3A_30 : vector<120x360xi32>
      %reduce_sum3A_272 = arith.constant dense<0> : vector<120xi32>
      %reduce_sum3A_273 = vector.multi_reduction <add>, %mul3A_271, %reduce_sum3A_272 [1] : vector<120x360xi32> to vector<120xi32>
      %broadcast_in_dim3A_274 = vector.shape_cast %reduce_sum3A_273 : vector<120xi32> to vector<120x1xi32>
      %mul3A_275 = arith.constant 2880 : i32
      %mul3A_276 = arith.muli %add3A_246, %mul3A_275 : i32
      %mul3A_277 = arith.constant 8 : i32
      %mul3A_278 = vector.broadcast %mul3A_277 : i32 to vector<120x1xi32>
      %mul3A_279 = arith.muli %broadcast_in_dim3A_274, %mul3A_278 : vector<120x1xi32>
      %add3A_280 = vector.broadcast %mul3A_276 : i32 to vector<120x1xi32>
      %add3A_281 = arith.addi %add3A_280, %mul3A_279 : vector<120x1xi32>
      %swap3A_282 = arith.constant 4 : index
      %swap3A_283 = arith.constant 0 : index
      %swap3A_284 = arith.constant 0 : index
      %swap3A_285 = vector.load %arg3[%swap3A_282, %swap3A_283, %swap3A_284] : memref<8x128x1xi32, #tpu.memory_space<vmem>>, vector<1x120x1xi32>
      %swap3A_286 = vector.shape_cast %swap3A_285 : vector<1x120x1xi32> to vector<120x1xi32>
      %swap3A_287 = vector.shape_cast %add3A_281 : vector<120x1xi32> to vector<1x120x1xi32>
      tpu.vector_store %arg3[%swap3A_282, %swap3A_283, %swap3A_284], %swap3A_287 {strides = array<i32>} : memref<8x128x1xi32, #tpu.memory_space<vmem>>, vector<1x120x1xi32>,
      %broadcast_in_dim3A_288 = arith.constant 0 : i32
      %broadcast_in_dim3A_289 = vector.broadcast %broadcast_in_dim3A_288 : i32 to vector<8x1xi32>
      %swap3A_290 = arith.constant 4 : index
      %swap3A_291 = arith.constant 120 : index
      %swap3A_292 = arith.constant 0 : index
      %swap3A_293 = vector.load %arg3[%swap3A_290, %swap3A_291, %swap3A_292] : memref<8x128x1xi32, #tpu.memory_space<vmem>>, vector<1x8x1xi32>
      %swap3A_294 = vector.shape_cast %swap3A_293 : vector<1x8x1xi32> to vector<8x1xi32>
      %swap3A_295 = vector.shape_cast %broadcast_in_dim3A_289 : vector<8x1xi32> to vector<1x8x1xi32>
      tpu.vector_store %arg3[%swap3A_290, %swap3A_291, %swap3A_292], %swap3A_295 {strides = array<i32>} : memref<8x128x1xi32, #tpu.memory_space<vmem>>, vector<1x8x1xi32>,
      %sub3A_296 = arith.constant 2 : i32
      %sub3A_297 = arith.subi %arg0, %sub3A_296 : i32
      %mul3A_298 = arith.constant 8 : i32
      %mul3A_299 = arith.muli %sub3A_297, %mul3A_298 : i32
      %add3A_300 = arith.constant 5 : i32
      %add3A_301 = arith.addi %mul3A_299, %add3A_300 : i32
      %get3A_302 = arith.index_cast %add3A_301 : i32 to index
      %get3A_303 = arith.constant 0 : index
      %get3A_304 = arith.constant 0 : index
      %get3A_305 = vector.load %arg5[%get3A_302, %get3A_303, %get3A_304] : memref<16x1x360xf32, #tpu.memory_space<vmem>>, vector<1x1x360xf32>
      %get3A_306 = vector.shape_cast %get3A_305 : vector<1x1x360xf32> to vector<1x360xf32>
      %div3A_307 = vector.broadcast %reduce_max3A_27 : f32 to vector<1x360xf32>
      %div3A_308 = arith.divf %get3A_306, %div3A_307 : vector<1x360xf32>
      %transpose3A_309 = tpu.transpose %div3A_308, [1, 0] : vector<1x360xf32> -> vector<360x1xf32>
      %gt3A_310 = vector.broadcast %transpose3A_309 : vector<360x1xf32> to vector<360x360xf32>
      %gt3A_311 = vector.broadcast %div3A_308 : vector<1x360xf32> to vector<360x360xf32>
      %gt3A_312 = arith.cmpf ogt, %gt3A_310, %gt3A_311 : vector<360x360xf32>
      %eq3A_313 = vector.broadcast %transpose3A_309 : vector<360x1xf32> to vector<360x360xf32>
      %eq3A_314 = vector.broadcast %div3A_308 : vector<1x360xf32> to vector<360x360xf32>
      %eq3A_315 = arith.cmpf oeq, %eq3A_313, %eq3A_314 : vector<360x360xf32>
      %lt3A_316 = arith.cmpi slt, %iota3A, %iota3A_28 : vector<360x360xi32>
      %and3A_317 = arith.andi %eq3A_315, %lt3A_316 : vector<360x360xi1>
      %or3A_318 = arith.ori %gt3A_312, %and3A_317 : vector<360x360xi1>
      %convert_element_type3A_319 = arith.extui %or3A_318 : vector<360x360xi1> to vector<360x360xi32>
      %reduce_sum3A_320 = arith.constant dense<0> : vector<360xi32>
      %reduce_sum3A_321 = vector.multi_reduction <add>, %convert_element_type3A_319, %reduce_sum3A_320 [0] : vector<360x360xi32> to vector<360xi32>
      %broadcast_in_dim3A_322 = vector.shape_cast %reduce_sum3A_321 : vector<360xi32> to vector<1x360xi32>
      %eq3A_323 = vector.broadcast %broadcast_in_dim3A_322 : vector<1x360xi32> to vector<120x360xi32>
      %eq3A_324 = arith.cmpi eq, %iota3A_29, %eq3A_323 : vector<120x360xi32>
      %convert_element_type3A_325 = arith.extui %eq3A_324 : vector<120x360xi1> to vector<120x360xi32>
      %mul3A_326 = arith.muli %convert_element_type3A_325, %iota3A_30 : vector<120x360xi32>
      %reduce_sum3A_327 = arith.constant dense<0> : vector<120xi32>
      %reduce_sum3A_328 = vector.multi_reduction <add>, %mul3A_326, %reduce_sum3A_327 [1] : vector<120x360xi32> to vector<120xi32>
      %broadcast_in_dim3A_329 = vector.shape_cast %reduce_sum3A_328 : vector<120xi32> to vector<120x1xi32>
      %mul3A_330 = arith.constant 2880 : i32
      %mul3A_331 = arith.muli %add3A_301, %mul3A_330 : i32
      %mul3A_332 = arith.constant 8 : i32
      %mul3A_333 = vector.broadcast %mul3A_332 : i32 to vector<120x1xi32>
      %mul3A_334 = arith.muli %broadcast_in_dim3A_329, %mul3A_333 : vector<120x1xi32>
      %add3A_335 = vector.broadcast %mul3A_331 : i32 to vector<120x1xi32>
      %add3A_336 = arith.addi %add3A_335, %mul3A_334 : vector<120x1xi32>
      %swap3A_337 = arith.constant 5 : index
      %swap3A_338 = arith.constant 0 : index
      %swap3A_339 = arith.constant 0 : index
      %swap3A_340 = vector.load %arg3[%swap3A_337, %swap3A_338, %swap3A_339] : memref<8x128x1xi32, #tpu.memory_space<vmem>>, vector<1x120x1xi32>
      %swap3A_341 = vector.shape_cast %swap3A_340 : vector<1x120x1xi32> to vector<120x1xi32>
      %swap3A_342 = vector.shape_cast %add3A_336 : vector<120x1xi32> to vector<1x120x1xi32>
      tpu.vector_store %arg3[%swap3A_337, %swap3A_338, %swap3A_339], %swap3A_342 {strides = array<i32>} : memref<8x128x1xi32, #tpu.memory_space<vmem>>, vector<1x120x1xi32>,
      %broadcast_in_dim3A_343 = arith.constant 0 : i32
      %broadcast_in_dim3A_344 = vector.broadcast %broadcast_in_dim3A_343 : i32 to vector<8x1xi32>
      %swap3A_345 = arith.constant 5 : index
      %swap3A_346 = arith.constant 120 : index
      %swap3A_347 = arith.constant 0 : index
      %swap3A_348 = vector.load %arg3[%swap3A_345, %swap3A_346, %swap3A_347] : memref<8x128x1xi32, #tpu.memory_space<vmem>>, vector<1x8x1xi32>
      %swap3A_349 = vector.shape_cast %swap3A_348 : vector<1x8x1xi32> to vector<8x1xi32>
      %swap3A_350 = vector.shape_cast %broadcast_in_dim3A_344 : vector<8x1xi32> to vector<1x8x1xi32>
      tpu.vector_store %arg3[%swap3A_345, %swap3A_346, %swap3A_347], %swap3A_350 {strides = array<i32>} : memref<8x128x1xi32, #tpu.memory_space<vmem>>, vector<1x8x1xi32>,
      %sub3A_351 = arith.constant 2 : i32
      %sub3A_352 = arith.subi %arg0, %sub3A_351 : i32
      %mul3A_353 = arith.constant 8 : i32
      %mul3A_354 = arith.muli %sub3A_352, %mul3A_353 : i32
      %add3A_355 = arith.constant 6 : i32
      %add3A_356 = arith.addi %mul3A_354, %add3A_355 : i32
      %get3A_357 = arith.index_cast %add3A_356 : i32 to index
      %get3A_358 = arith.constant 0 : index
      %get3A_359 = arith.constant 0 : index
      %get3A_360 = vector.load %arg5[%get3A_357, %get3A_358, %get3A_359] : memref<16x1x360xf32, #tpu.memory_space<vmem>>, vector<1x1x360xf32>
      %get3A_361 = vector.shape_cast %get3A_360 : vector<1x1x360xf32> to vector<1x360xf32>
      %div3A_362 = vector.broadcast %reduce_max3A_27 : f32 to vector<1x360xf32>
      %div3A_363 = arith.divf %get3A_361, %div3A_362 : vector<1x360xf32>
      %transpose3A_364 = tpu.transpose %div3A_363, [1, 0] : vector<1x360xf32> -> vector<360x1xf32>
      %gt3A_365 = vector.broadcast %transpose3A_364 : vector<360x1xf32> to vector<360x360xf32>
      %gt3A_366 = vector.broadcast %div3A_363 : vector<1x360xf32> to vector<360x360xf32>
      %gt3A_367 = arith.cmpf ogt, %gt3A_365, %gt3A_366 : vector<360x360xf32>
      %eq3A_368 = vector.broadcast %transpose3A_364 : vector<360x1xf32> to vector<360x360xf32>
      %eq3A_369 = vector.broadcast %div3A_363 : vector<1x360xf32> to vector<360x360xf32>
      %eq3A_370 = arith.cmpf oeq, %eq3A_368, %eq3A_369 : vector<360x360xf32>
      %lt3A_371 = arith.cmpi slt, %iota3A, %iota3A_28 : vector<360x360xi32>
      %and3A_372 = arith.andi %eq3A_370, %lt3A_371 : vector<360x360xi1>
      %or3A_373 = arith.ori %gt3A_367, %and3A_372 : vector<360x360xi1>
      %convert_element_type3A_374 = arith.extui %or3A_373 : vector<360x360xi1> to vector<360x360xi32>
      %reduce_sum3A_375 = arith.constant dense<0> : vector<360xi32>
      %reduce_sum3A_376 = vector.multi_reduction <add>, %convert_element_type3A_374, %reduce_sum3A_375 [0] : vector<360x360xi32> to vector<360xi32>
      %broadcast_in_dim3A_377 = vector.shape_cast %reduce_sum3A_376 : vector<360xi32> to vector<1x360xi32>
      %eq3A_378 = vector.broadcast %broadcast_in_dim3A_377 : vector<1x360xi32> to vector<120x360xi32>
      %eq3A_379 = arith.cmpi eq, %iota3A_29, %eq3A_378 : vector<120x360xi32>
      %convert_element_type3A_380 = arith.extui %eq3A_379 : vector<120x360xi1> to vector<120x360xi32>
      %mul3A_381 = arith.muli %convert_element_type3A_380, %iota3A_30 : vector<120x360xi32>
      %reduce_sum3A_382 = arith.constant dense<0> : vector<120xi32>
      %reduce_sum3A_383 = vector.multi_reduction <add>, %mul3A_381, %reduce_sum3A_382 [1] : vector<120x360xi32> to vector<120xi32>
      %broadcast_in_dim3A_384 = vector.shape_cast %reduce_sum3A_383 : vector<120xi32> to vector<120x1xi32>
      %mul3A_385 = arith.constant 2880 : i32
      %mul3A_386 = arith.muli %add3A_356, %mul3A_385 : i32
      %mul3A_387 = arith.constant 8 : i32
      %mul3A_388 = vector.broadcast %mul3A_387 : i32 to vector<120x1xi32>
      %mul3A_389 = arith.muli %broadcast_in_dim3A_384, %mul3A_388 : vector<120x1xi32>
      %add3A_390 = vector.broadcast %mul3A_386 : i32 to vector<120x1xi32>
      %add3A_391 = arith.addi %add3A_390, %mul3A_389 : vector<120x1xi32>
      %swap3A_392 = arith.constant 6 : index
      %swap3A_393 = arith.constant 0 : index
      %swap3A_394 = arith.constant 0 : index
      %swap3A_395 = vector.load %arg3[%swap3A_392, %swap3A_393, %swap3A_394] : memref<8x128x1xi32, #tpu.memory_space<vmem>>, vector<1x120x1xi32>
      %swap3A_396 = vector.shape_cast %swap3A_395 : vector<1x120x1xi32> to vector<120x1xi32>
      %swap3A_397 = vector.shape_cast %add3A_391 : vector<120x1xi32> to vector<1x120x1xi32>
      tpu.vector_store %arg3[%swap3A_392, %swap3A_393, %swap3A_394], %swap3A_397 {strides = array<i32>} : memref<8x128x1xi32, #tpu.memory_space<vmem>>, vector<1x120x1xi32>,
      %broadcast_in_dim3A_398 = arith.constant 0 : i32
      %broadcast_in_dim3A_399 = vector.broadcast %broadcast_in_dim3A_398 : i32 to vector<8x1xi32>
      %swap3A_400 = arith.constant 6 : index
      %swap3A_401 = arith.constant 120 : index
      %swap3A_402 = arith.constant 0 : index
      %swap3A_403 = vector.load %arg3[%swap3A_400, %swap3A_401, %swap3A_402] : memref<8x128x1xi32, #tpu.memory_space<vmem>>, vector<1x8x1xi32>
      %swap3A_404 = vector.shape_cast %swap3A_403 : vector<1x8x1xi32> to vector<8x1xi32>
      %swap3A_405 = vector.shape_cast %broadcast_in_dim3A_399 : vector<8x1xi32> to vector<1x8x1xi32>
      tpu.vector_store %arg3[%swap3A_400, %swap3A_401, %swap3A_402], %swap3A_405 {strides = array<i32>} : memref<8x128x1xi32, #tpu.memory_space<vmem>>, vector<1x8x1xi32>,
      %sub3A_406 = arith.constant 2 : i32
      %sub3A_407 = arith.subi %arg0, %sub3A_406 : i32
      %mul3A_408 = arith.constant 8 : i32
      %mul3A_409 = arith.muli %sub3A_407, %mul3A_408 : i32
      %add3A_410 = arith.constant 7 : i32
      %add3A_411 = arith.addi %mul3A_409, %add3A_410 : i32
      %get3A_412 = arith.index_cast %add3A_411 : i32 to index
      %get3A_413 = arith.constant 0 : index
      %get3A_414 = arith.constant 0 : index
      %get3A_415 = vector.load %arg5[%get3A_412, %get3A_413, %get3A_414] : memref<16x1x360xf32, #tpu.memory_space<vmem>>, vector<1x1x360xf32>
      %get3A_416 = vector.shape_cast %get3A_415 : vector<1x1x360xf32> to vector<1x360xf32>
      %div3A_417 = vector.broadcast %reduce_max3A_27 : f32 to vector<1x360xf32>
      %div3A_418 = arith.divf %get3A_416, %div3A_417 : vector<1x360xf32>
      %transpose3A_419 = tpu.transpose %div3A_418, [1, 0] : vector<1x360xf32> -> vector<360x1xf32>
      %gt3A_420 = vector.broadcast %transpose3A_419 : vector<360x1xf32> to vector<360x360xf32>
      %gt3A_421 = vector.broadcast %div3A_418 : vector<1x360xf32> to vector<360x360xf32>
      %gt3A_422 = arith.cmpf ogt, %gt3A_420, %gt3A_421 : vector<360x360xf32>
      %eq3A_423 = vector.broadcast %transpose3A_419 : vector<360x1xf32> to vector<360x360xf32>
      %eq3A_424 = vector.broadcast %div3A_418 : vector<1x360xf32> to vector<360x360xf32>
      %eq3A_425 = arith.cmpf oeq, %eq3A_423, %eq3A_424 : vector<360x360xf32>
      %lt3A_426 = arith.cmpi slt, %iota3A, %iota3A_28 : vector<360x360xi32>
      %and3A_427 = arith.andi %eq3A_425, %lt3A_426 : vector<360x360xi1>
      %or3A_428 = arith.ori %gt3A_422, %and3A_427 : vector<360x360xi1>
      %convert_element_type3A_429 = arith.extui %or3A_428 : vector<360x360xi1> to vector<360x360xi32>
      %reduce_sum3A_430 = arith.constant dense<0> : vector<360xi32>
      %reduce_sum3A_431 = vector.multi_reduction <add>, %convert_element_type3A_429, %reduce_sum3A_430 [0] : vector<360x360xi32> to vector<360xi32>
      %broadcast_in_dim3A_432 = vector.shape_cast %reduce_sum3A_431 : vector<360xi32> to vector<1x360xi32>
      %eq3A_433 = vector.broadcast %broadcast_in_dim3A_432 : vector<1x360xi32> to vector<120x360xi32>
      %eq3A_434 = arith.cmpi eq, %iota3A_29, %eq3A_433 : vector<120x360xi32>
      %convert_element_type3A_435 = arith.extui %eq3A_434 : vector<120x360xi1> to vector<120x360xi32>
      %mul3A_436 = arith.muli %convert_element_type3A_435, %iota3A_30 : vector<120x360xi32>
      %reduce_sum3A_437 = arith.constant dense<0> : vector<120xi32>
      %reduce_sum3A_438 = vector.multi_reduction <add>, %mul3A_436, %reduce_sum3A_437 [1] : vector<120x360xi32> to vector<120xi32>
      %broadcast_in_dim3A_439 = vector.shape_cast %reduce_sum3A_438 : vector<120xi32> to vector<120x1xi32>
      %mul3A_440 = arith.constant 2880 : i32
      %mul3A_441 = arith.muli %add3A_411, %mul3A_440 : i32
      %mul3A_442 = arith.constant 8 : i32
      %mul3A_443 = vector.broadcast %mul3A_442 : i32 to vector<120x1xi32>
      %mul3A_444 = arith.muli %broadcast_in_dim3A_439, %mul3A_443 : vector<120x1xi32>
      %add3A_445 = vector.broadcast %mul3A_441 : i32 to vector<120x1xi32>
      %add3A_446 = arith.addi %add3A_445, %mul3A_444 : vector<120x1xi32>
      %swap3A_447 = arith.constant 7 : index
      %swap3A_448 = arith.constant 0 : index
      %swap3A_449 = arith.constant 0 : index
      %swap3A_450 = vector.load %arg3[%swap3A_447, %swap3A_448, %swap3A_449] : memref<8x128x1xi32, #tpu.memory_space<vmem>>, vector<1x120x1xi32>
      %swap3A_451 = vector.shape_cast %swap3A_450 : vector<1x120x1xi32> to vector<120x1xi32>
      %swap3A_452 = vector.shape_cast %add3A_446 : vector<120x1xi32> to vector<1x120x1xi32>
      tpu.vector_store %arg3[%swap3A_447, %swap3A_448, %swap3A_449], %swap3A_452 {strides = array<i32>} : memref<8x128x1xi32, #tpu.memory_space<vmem>>, vector<1x120x1xi32>,
      %broadcast_in_dim3A_453 = arith.constant 0 : i32
      %broadcast_in_dim3A_454 = vector.broadcast %broadcast_in_dim3A_453 : i32 to vector<8x1xi32>
      %swap3A_455 = arith.constant 7 : index
      %swap3A_456 = arith.constant 120 : index
      %swap3A_457 = arith.constant 0 : index
      %swap3A_458 = vector.load %arg3[%swap3A_455, %swap3A_456, %swap3A_457] : memref<8x128x1xi32, #tpu.memory_space<vmem>>, vector<1x8x1xi32>
      %swap3A_459 = vector.shape_cast %swap3A_458 : vector<1x8x1xi32> to vector<8x1xi32>
      %swap3A_460 = vector.shape_cast %broadcast_in_dim3A_454 : vector<8x1xi32> to vector<1x8x1xi32>
      tpu.vector_store %arg3[%swap3A_455, %swap3A_456, %swap3A_457], %swap3A_460 {strides = array<i32>} : memref<8x128x1xi32, #tpu.memory_space<vmem>>, vector<1x8x1xi32>,
    } else {
    }
    return
  }
  func.func @transform_1(%arg0: i32) -> (i32, i32, i32) {
    %min3A = arith.constant 1 : i32
    %min3A_0 = arith.minsi %arg0, %min3A : i32
    %c0_i32 = arith.constant 0 : i32
    %c0_i32_1 = arith.constant 0 : i32
    %c0_i32_2 = arith.constant 0 : i32
    return %min3A_0, %c0_i32, %c0_i32_1 : i32, i32, i32
  }
  func.func @transform_2(%arg0: i32) -> (i32, i32, i32) {
    %sub3A = arith.constant 2 : i32
    %sub3A_0 = arith.subi %arg0, %sub3A : i32
    %max3A = arith.constant 0 : i32
    %max3A_1 = arith.maxsi %sub3A_0, %max3A : i32
    %c0_i32 = arith.constant 0 : i32
    %c0_i32_2 = arith.constant 0 : i32
    %c0_i32_3 = arith.constant 0 : i32
    return %max3A_1, %c0_i32, %c0_i32_2 : i32, i32, i32
  }
}

</mosaic_0001>

<sc_bundles>
// kernel: kernel.4.cloned.1.call-start
scs
__scs_entry_jumppad:
0x0: {  	(pc) =	sbr.rel $0x88, $3  }
0x1: {  	(tag) =	ssettag $0x0;
	lr =	simm.s32 $0x1  }
0x2: {  	[smem:$0x3F9F] =	sst lr;
	_ =	strace $0xD0000000  }
0x3: {  	_ = 	snop  }
0x4: {  	_ = 	snop  }
0x5: {  	_ = 	snop  }
0x6: {  	_ = 	snop  }
0x7: {  	_ = 	snop  }
__scs_overlays_trampoline_lowered:
0x8: {  	[smem:$0x3FAE] =	sst s0  }
0x9: {  	[smem:$0x3FAF] =	sst s1  }
0xa: {  	[smem:$0x3FB0] =	sst s2  }
0xb: {  	[smem:$0x3FB1] =	sst s3  }
0xc: {  	[smem:$0x3FB2] =	sst s4  }
0xd: {  	[smem:$0x3FB3] =	sst s5  }
0xe: {  	[smem:$0x3FB4] =	sst s6  }
0xf: {  	[smem:$0x3FB5] =	sst s7  }
0x10: {  	[smem:$0x3FB6] =	sst s8  }
0x11: {  	[smem:$0x3FB7] =	sst s9;
	s0 =	simm.s32 @!p0 $0x0  }
0x12: {  	s1 =	sld [smem:$0x3F9D];
	s0 =	simm.s32 @p0 $0x1  }
0x13: {  	[smem:$0x3FB8] =	sst s0;
	s0 =	simm.s32 @!p1 $0x0  }
0x14: {  	s2 =	sld [smem:$0x3F9C];
	s0 =	simm.s32 @p1 $0x1  }
0x15: {  	[smem:$0x3FB9] =	sst s0;
	s0 =	simm.s32 @!p2 $0x0  }
0x16: {  	s3 =	sld [smem:$0x3FDB];
	s0 =	simm.s32 @p2 $0x1  }
0x17: {  	s4 =	simm.s32 $0x1BF5;
	[smem:$0x3FBB] =	sst s0  }
0x18: {  	s0 =	sld [smem:$0x3F9E];
	_ =	swait.ge [sflag:s4], $0x0  }
0x19: {  	s7 =	sld [smem:$0x3F9F]  }
0x1a: {  	s8 =	sadd.s32 $0xFFFFE003, lr  }
0x1b: {  	s9 =	sadd.s32 $0xFFFFFEF7, lr;
	s5 =	simm.s32 $0xFFFFFFFF;
	p2 =	slt.u32 s8, $0xFFFFF086  }
0x1c: {  	p1 =	slt.u32 s9, $0xF7A;
	s5 =	simm.s32 @!p2 $0x0  }
0x1d: {  	s5 =	simm.s32 @p1 $0x1;
	p0 =	seq.s32 s7, s2  }
0x1e: {  	s7 =	smul.u32 @!p0 $0xF7A, s2;
	p2 =	seq.s32 @!p0 s5, $0x0  }
0x1f: {  	s9 =	smul.u32 $0xF7A, s1;
	s8 =	simm.s32 @!p0 $0x1BF5;
	p2 =	por !p2, p0  }
0x20: {  	[sflag:s8] =	ssyncset.s32 @!p0 $0xFFFFF086;
	s6 =	sadd.s32 @!p0 s3, s7;
	s7 =	simm.s32 @!p0 $0x108  }
0x21: {  	s3 =	sadd.s32 s3, s9;
	s6 =	sadd.s32 @!p0 $0x88, s6;
	s7 =	simm.s32 @p2 $0x1082  }
0x22: {  	[simem:s7], [sflag:s8] =	dma.local @!p0 [hbm:s6], $0xF7A  }
0x23: {  	s9 =	sor.u32 $0xD0000000, s2;
	s6 =	simm.s32 $0x108;
	_ =	swait.ge @!p0 [sflag:s8], $0x0  }
0x24: {  	s3 =	sadd.s32 $0x88, s3;
	s6 =	simm.s32 @!p1 $0x1082;
	[sflag:s4] =	ssyncset.s32 $0xFFFFF086  }
0x25: {  	[simem:s6], [sflag:s4] =	dma.local [hbm:s3], $0xF7A  }
0x26: {  	[smem:$0x3F9F] =	sst s1;
	(tag) =	ssettag s2;
	_ =	strace s9  }
0x27: {  	s1 =	sld [smem:$0x3FAF]  }
0x28: {  	s2 =	sld [smem:$0x3FB0]  }
0x29: {  	s4 =	sld [smem:$0x3FB2]  }
0x2a: {  	p0 =	seq.s32 s5, $0x0;
	s5 =	sld [smem:$0x3FB3]  }
0x2b: {  	s6 =	sld [smem:$0x3FB4]  }
0x2c: {  	s7 =	sld [smem:$0x3FB5]  }
0x2d: {  	s3 =	simm.s32 $0x108;
	s8 =	sld [smem:$0x3FB6]  }
0x2e: {  	s3 =	simm.s32 @!p0 $0x1082;
	s9 =	sld [smem:$0x3FB7]  }
0x2f: {  	lr =	sadd.s32 s0, s3;
	s0 =	sld [smem:$0x3FAE]  }
0x30: {  	s3 =	sld [smem:$0x3FB1]  }
0x31: {  	[smem:$0x3FBA] =	sst s10  }
0x32: {  	s10 =	sld [smem:$0x3FB8];
	_ =	sdelay $0x3  }
0x33: {  	p0 =	seq.s32 s10, $0x1;
	s10 =	sld [smem:$0x3FBA];
	_ =	sdelay $0x3  }
0x34: {  	[smem:$0x3FBA] =	sst s10  }
0x35: {  	s10 =	sld [smem:$0x3FB9];
	_ =	sdelay $0x3  }
0x36: {  	p1 =	seq.s32 s10, $0x1;
	s10 =	sld [smem:$0x3FBA];
	_ =	sdelay $0x3  }
0x37: {  	[smem:$0x3FBA] =	sst s10  }
0x38: {  	s10 =	sld [smem:$0x3FBB]  }
0x39: {  	_ = 	snop;
	(pc) =	sbr.ind lr, $3  }
0x3a: {  	_ = 	snop  }
0x3b: {  	_ = 	snop  }
0x3c: {  	p2 =	seq.s32 s10, $0x1;
	s10 =	sld [smem:$0x3FBA]  }
0x3d: {  	_ =	shalt  }
0x3e: {  	_ =	shalt  }
0x3f: {  	_ =	shalt  }
0x40: {  	_ =	shalt  }
0x41: {  	_ =	shalt  }
0x42: {  	_ =	shalt  }
0x43: {  	_ =	shalt  }
0x44: {  	_ =	shalt  }
0x45: {  	_ =	shalt  }
0x46: {  	_ =	shalt  }
0x47: {  	_ =	shalt  }
0x48: {  	_ =	shalt  }
0x49: {  	_ =	shalt  }
0x4a: {  	_ =	shalt  }
0x4b: {  	_ =	shalt  }
0x4c: {  	_ =	shalt  }
0x4d: {  	_ =	shalt  }
0x4e: {  	_ =	shalt  }
0x4f: {  	_ =	shalt  }
0x50: {  	_ =	shalt  }
0x51: {  	_ =	shalt  }
0x52: {  	_ =	shalt  }
0x53: {  	_ =	shalt  }
0x54: {  	_ =	shalt  }
0x55: {  	_ =	shalt  }
0x56: {  	_ =	shalt  }
0x57: {  	_ =	shalt  }
0x58: {  	_ =	shalt  }
0x59: {  	_ =	shalt  }
0x5a: {  	_ =	shalt  }
0x5b: {  	_ =	shalt  }
0x5c: {  	_ =	shalt  }
0x5d: {  	_ =	shalt  }
0x5e: {  	_ =	shalt  }
0x5f: {  	_ =	shalt  }
0x60: {  	_ =	shalt  }
0x61: {  	_ =	shalt  }
0x62: {  	_ =	shalt  }
0x63: {  	_ =	shalt  }
0x64: {  	_ =	shalt  }
0x65: {  	_ =	shalt  }
0x66: {  	_ =	shalt  }
0x67: {  	_ =	shalt  }
0x68: {  	_ =	shalt  }
0x69: {  	_ =	shalt  }
0x6a: {  	_ =	shalt  }
0x6b: {  	_ =	shalt  }
0x6c: {  	_ =	shalt  }
0x6d: {  	_ =	shalt  }
0x6e: {  	_ =	shalt  }
0x6f: {  	_ =	shalt  }
0x70: {  	_ =	shalt  }
0x71: {  	_ =	shalt  }
0x72: {  	_ =	shalt  }
0x73: {  	_ =	shalt  }
0x74: {  	_ =	shalt  }
0x75: {  	_ =	shalt  }
0x76: {  	_ =	shalt  }
0x77: {  	_ =	shalt  }
0x78: {  	_ =	shalt  }
0x79: {  	_ =	shalt  }
0x7a: {  	_ =	shalt  }
0x7b: {  	_ =	shalt  }
0x7c: {  	_ =	shalt  }
0x7d: {  	_ =	shalt  }
0x7e: {  	_ =	shalt  }
0x7f: {  	_ =	shalt  }
0x80: {  	_ =	shalt  }
0x81: {  	_ =	shalt  }
0x82: {  	_ =	shalt  }
0x83: {  	_ =	shalt  }
0x84: {  	_ =	shalt  }
0x85: {  	_ =	shalt  }
0x86: {  	_ =	shalt  }
0x87: {  	_ =	shalt  }
.Lfunc_end0:
.L_simem_size_0:
called_computation_lowered:
.L_overlay_start_0:
0x88: {  	s2 =	sld [smem:$0x3FD9]  }
0x89: {  	s3 =	sld [smem:$0x3FFE];
	_ =	sdelay $0x1  }
0x8a: {  	s1 =	srdreg.scid  }
0x8b: {  	s0 =	sand.u32 $0x1, s1  }
0x8c: {  	s17 =	sshll.u32 s0, $0xA;
	s2 =	sadd.s32 s3, s2  }
0x8d: {  	s2 =	sadd.s32 s2, s17  }
0x8e: {  	[smem:$0x3FC6] =	sst s2  }
0x8f: {  	_ = 	snop  }
0x90: {  	s2 =	sld [smem:$0x3FC9]  }
0x91: {  	s18 =	sld [smem:$0x3FC8]  }
0x92: {  	s4 =	sld [smem:$0x3FD0];
	(tm) =	ssettm $0x1  }
0x93: {  	s5 =	sld [smem:$0x3FFB];
	_ =	sdelay $0x3  }
0x94: {  	_ =	strace s5  }
0x95: {  	s5 =	sld [smem:$0x3FFC];
	_ =	sdelay $0x3  }
0x96: {  	_ =	strace s5  }
0x97: {  	s5 =	sld [smem:$0x3FFD];
	_ =	sdelay $0x3  }
0x98: {  	_ =	strace s5  }
0x99: {  	_ =	strace $0x8FFFFFFF  }
0x9a: {  	s19 =	sld [smem:$0x3FDB];
	_ =	sdelay $0x1  }
0x9b: {  	s6 =	simm.s32 $_scs_section_size  }
0x9c: {  	s7 =	simm.s32 $_size__tile_overlayer_lowered;
	s8 =	simm.s32 $_tile_overlayer_lowered  }
0x9d: {  	s22 =	simm.s32 $0x1BFF;
	s21 =	sshll.u32 s8, $0x1;
	s5 =	sadd.s32 s6, s19  }
0x9e: {  	s9 =	simm.s32 $0x0;
	s20 =	sshll.u32 s7, $0x1;
	s7 =	sadd.s32 s21, s5  }
0x9f: {  	[timem:s9], [sflag:s22] =	dma.local [hbm:s7], s20  }
0xa0: {  	_ =	swait.ge [sflag:s22], s20  }
0xa1: {  	s6 =	ssub.s32 $0x0, s20;
	[sflag:s22] =	ssyncset.done $0x0  }
0xa2: {  	[sflag:s22] =	ssyncadd.s32 s6;
	_ =	sdelay $0x1  }
0xa3: {  	s23 =	simm.s32 $0x1B8B  }
0xa4: {  	_ =	swait.ge [sflag:s23], $0x1  }
0xa5: {  	[sflag:s23] =	ssyncset.done $0x0  }
0xa6: {  	s25 =	simm.s32 $0x1B8E;
	s24 =	sld [smem:$0x3FFE];
	[sflag:s23] =	ssyncadd.s32 $0xFFFFFFFF  }
0xa7: {  	s26 =	simm.s32 $execute0_lowered;
	[smem:$0x3FD2] =	sst s25  }
0xa8: {  	s7 =	sshll.u32 s26, $0x1;
	_ =	strace $0x80000046;
	[dreg:$0x1] =	wrdreg $0xFFFFFFFF  }
0xa9: {  	s28 =	simm.s32 $_size_execute0_lowered;
	s5 =	sadd.s32 s5, s7;
	[dreg:$0x0] =	wrdreg $0x0  }
0xaa: {  	s7 =	sshll.u32 s28, $0x1;
	[dreg:$0x2] =	wrdreg s5  }
0xab: {  	[dreg:$0x3] =	wrdreg s7  }
0xac: {  	[dreg:$0x4] =	wrdreg $0xC0  }
0xad: {  	_ =	task [dreg:s9], $0x5FFFF  }
0xae: {  	[dreg:$0x1] =	wrdreg $0xFFFFFFFF  }
0xaf: {  	[dreg:$0x0] =	wrdreg $0x60  }
0xb0: {  	[dreg:$0x2] =	wrdreg s2  }
0xb1: {  	[dreg:$0x3] =	wrdreg s18  }
0xb2: {  	[dreg:$0x4] =	wrdreg s4  }
0xb3: {  	[dreg:$0x5] =	wrdreg s24  }
0xb4: {  	[dreg:$0x6] =	wrdreg $0x9  }
0xb5: {  	_ =	task.clear_ibuf [dreg:s9], $0x7FFFF;
	_ =	strace $0x90000046  }
0xb6: {  	s29 =	simm.s32 $0x9;
	_ =	strace $0x80000048  }
0xb7: {  	_ =	swait.ge [sflag:s29], $0x1  }
0xb8: {  	[sflag:s29] =	ssyncadd.s32 $0xFFFFFFFF  }
0xb9: {  	_ =	strace $0x90000048  }
0xba: {  	_ =	sfence  }
0xbb: {  	s30 =	sld [smem:$0x0];
	_ =	sdelay $0x2  }
0xbc: {  	s31 =	sshll.u32 s1, $0xD;
	s1 =	sshrl.u32 s1, $0x2  }
0xbd: {  	s3 =	sand.u32 $0x4000, s31;
	s1 =	sadd.s32 s1, s30  }
0xbe: {  	s0 =	sor.u32 s3, s0;
	s1 =	sshll.u32 s1, $0x11  }
0xbf: {  	s0 =	sor.u32 s1, s0  }
0xc0: {  	s0 =	sadd.s32 $0x8F2B, s0  }
0xc1: {  	[sflag:s0] =	ssyncadd.remote.s32 $0x1  }
0xc2: {  	_ =	sfence.sel $0xFFFF  }
0xc3: {  	[dreg:$0x0] =	wrdreg $0xFFFFFFFF;
	(pc) =	sbr.abs _section_cstart, $3  }
0xc4: {  	[dreg:$0x1] =	wrdreg $0xFFFFFFFF  }
0xc5: {  	_ =	task.clear_ibuf [dreg:s9], $0x2FFFF;
	_ =	strace $0x9FFFFFFF  }
0xc6: {  	(tm) =	ssettm $0x7FFFFFFF  }
0xc7: {  	_ =	shalt  }
tec
execute0_lowered:
.L_overlay_start_1:
0x0: {  	(tag) =	ssettag $0x1  }
0x1: {  	s1 =	rddreg [dreg:$0x0]  }
0x2: {  	s0 =	rddreg [dreg:$0x1]  }
0x3: {  	s2 =	rddreg [dreg:$0x2]  }
0x4: {  	s4 =	rddreg [dreg:$0x3];
	s3 =	srdreg.scid  }
0x5: {  	s11 =	stileid.u32;
	s31 =	simm.s32 $0x100;
	s10 =	sand.u32 $0x1, s3  }
0x6: {  	s3 =	simm.s32 $0x0;
	s5 =	sshll.u32 s11, $0x6;
	s8 =	smul.u32 $0xB700, s11  }
0x7: {  	s30 =	smul.u32 $0x300, s11;
	s6 =	sshll.u32 s10, $0x5;
	[smem:$0x7FF] =	sst s3  }
0x8: {  	s7 =	ssub.s32 $0x2, s10;
	p0 =	sne.s32 s10, $0x0;
	s5 =	sor.u32 s6, s5  }
0x9: {  	_ =	strace $0x80000047;
	s9 =	sshrl.u32 s7, $0x1;
	s8 =	sadd.s32 s8, s4  }
0xa: {  	s0 =	sadd.s32 s0, s30;
	[dreg:$0x7] =	wrdreg s31;
	s6 =	sadd.s32 s5, s4  }
0xb: {  	s2 =	sadd.s32 s2, s5;
	s9 =	ssub.s32 s7, s9;
	[dreg:$0x9] =	wrdreg s0  }
0xc: {  	v2 =	vlaneseq.u32;
	s4 =	sadd.s32 $0x100, s1;
	s0 =	sadd.s32 $0x10, s0;
	[dreg:$0x5] =	wrdreg s2  }
0xd: {  	vm0 =	vmmov $0xffff;
	v1 =	vshrl.u32 v2, $0x3;
	s5 =	sadd.s32 $0x200, s1;
	s29 =	sadd.s32 $0x200, s6;
	[dreg:$0x8] =	wrdreg s0  }
0xe: {  	v0 =	vand.u32 $0x7, v2;
	v2 =	vor.u32 $0x8, v2;
	v1 =	vmul.u32 $0x8, v1;
	s8 =	sadd.s32 $0x600, s8;
	s9 =	smax.u32 s9, $0x1;
	[dreg:$0x6] =	wrdreg s29  }
.LBB2_1:
0xf: {  	s17 =	rddreg [dreg:$0x5];
	s0 =	simm.s32 $0x3  }
0x10: {  	[tilespmem:s3], [sflag:$0x3] =	stream.linear.gather [hbm4b:s17+s3], $0x100, $0x38;
	[tilespmem:$0x18200] =	vst v63  }
0x11: {  	_ =	swait.ge [sflag:s0], $0x100  }
0x12: {  	s30 =	rddreg [dreg:$0x6];
	[sflag:s0] =	ssyncset.done $0x0  }
0x13: {  	s18 =	rddreg [dreg:$0x7];
	[sflag:s0] =	ssyncadd.s32 $0xFFFFFF00  }
0x14: {  	[tilespmem:s18], [sflag:$0x3] =	stream.linear.gather [hbm4b:s30+s3], $0x100, $0x38;
	[tilespmem:$0x18200] =	vst v63  }
0x15: {  	_ =	swait.ge [sflag:s0], $0x100  }
0x16: {  	[sflag:s0] =	ssyncset.done $0x0  }
0x17: {  	[sflag:s0] =	ssyncadd.s32 $0xFFFFFF00  }
0x18: {  	v3 =	vld [tilespmem:$0x0];
	_ =	sdelay $0x4  }
0x19: {  	v4 =	vshrl.u32 v3, $0x3  }
0x1a: {  	v4 =	vmul.u32 $0x30, v4  }
0x1b: {  	v3 =	vand.u32 $0x7, v3  }
0x1c: {  	v3 =	vor.u32 v3, v4  }
0x1d: {  	v4 =	vperm.xlane v3, v0;
	_ =	sdelay $0x1  }
0x1e: {  	v4 =	vadd.s32 v1, v4;
	_ =	sdelay $0x3  }
0x1f: {  	s31 =	simm.s32 $0x200;
	v3 =	vperm.xlane v3, v2  }
0x20: {  	[tilespmem:s31], [sflag:$0x1] =	stream.indirect_vreg.gather [hbm4b:s1+s3], $0x80, v4, vm0, $0xb8;
	[tilespmem:$0x18200] =	vst v63  }
0x21: {  	s2 =	simm.s32 $0xA00;
	v3 =	vadd.s32 v1, v3  }
0x22: {  	[tilespmem:s2], [sflag:$0x1] =	stream.indirect_vreg.gather [hbm4b:s4+s3], $0x80, v4, vm0, $0xb8;
	[tilespmem:$0x18200] =	vst v63  }
0x23: {  	s6 =	simm.s32 $0x1200  }
0x24: {  	[tilespmem:s6], [sflag:$0x1] =	stream.indirect_vreg.gather [hbm4b:s5+s3], $0x80, v4, vm0, $0xb8;
	[tilespmem:$0x18200] =	vst v63  }
0x25: {  	s7 =	simm.s32 $0x1A00  }
0x26: {  	[tilespmem:s7], [sflag:$0x1] =	stream.indirect_vreg.gather [hbm4b:s1+s3], $0x80, v3, vm0, $0xb8;
	[tilespmem:$0x18200] =	vst v63  }
0x27: {  	s10 =	simm.s32 $0x2200  }
0x28: {  	[tilespmem:s10], [sflag:$0x1] =	stream.indirect_vreg.gather [hbm4b:s4+s3], $0x80, v3, vm0, $0xb8;
	[tilespmem:$0x18200] =	vst v63  }
0x29: {  	s11 =	simm.s32 $0x2A00  }
0x2a: {  	[tilespmem:s11], [sflag:$0x1] =	stream.indirect_vreg.gather [hbm4b:s5+s3], $0x80, v3, vm0, $0xb8;
	[tilespmem:$0x18200] =	vst v63  }
0x2b: {  	v3 =	vld [tilespmem:$0x10];
	_ =	sdelay $0x4  }
0x2c: {  	v33 =	vshrl.u32 v3, $0x3  }
0x2d: {  	v4 =	vmul.u32 $0x30, v33  }
0x2e: {  	v3 =	vand.u32 $0x7, v3  }
0x2f: {  	v3 =	vor.u32 v3, v4  }
0x30: {  	v4 =	vperm.xlane v3, v0;
	_ =	sdelay $0x1  }
0x31: {  	v4 =	vadd.s32 v1, v4;
	_ =	sdelay $0x3  }
0x32: {  	s12 =	simm.s32 $0x3200;
	v3 =	vperm.xlane v3, v2  }
0x33: {  	[tilespmem:s12], [sflag:$0x1] =	stream.indirect_vreg.gather [hbm4b:s1+s3], $0x80, v4, vm0, $0xb8;
	[tilespmem:$0x18200] =	vst v63  }
0x34: {  	s13 =	simm.s32 $0x3A00;
	v3 =	vadd.s32 v1, v3  }
0x35: {  	[tilespmem:s13], [sflag:$0x1] =	stream.indirect_vreg.gather [hbm4b:s4+s3], $0x80, v4, vm0, $0xb8;
	[tilespmem:$0x18200] =	vst v63  }
0x36: {  	s14 =	simm.s32 $0x4200  }
0x37: {  	[tilespmem:s14], [sflag:$0x1] =	stream.indirect_vreg.gather [hbm4b:s5+s3], $0x80, v4, vm0, $0xb8;
	[tilespmem:$0x18200] =	vst v63  }
0x38: {  	s15 =	simm.s32 $0x4A00  }
0x39: {  	[tilespmem:s15], [sflag:$0x1] =	stream.indirect_vreg.gather [hbm4b:s1+s3], $0x80, v3, vm0, $0xb8;
	[tilespmem:$0x18200] =	vst v63  }
0x3a: {  	s16 =	simm.s32 $0x5200  }
0x3b: {  	[tilespmem:s16], [sflag:$0x1] =	stream.indirect_vreg.gather [hbm4b:s4+s3], $0x80, v3, vm0, $0xb8;
	[tilespmem:$0x18200] =	vst v63  }
0x3c: {  	s17 =	simm.s32 $0x5A00  }
0x3d: {  	[tilespmem:s17], [sflag:$0x1] =	stream.indirect_vreg.gather [hbm4b:s5+s3], $0x80, v3, vm0, $0xb8;
	[tilespmem:$0x18200] =	vst v63  }
0x3e: {  	v3 =	vld [tilespmem:$0x20];
	_ =	sdelay $0x4  }
0x3f: {  	v34 =	vshrl.u32 v3, $0x3  }
0x40: {  	v4 =	vmul.u32 $0x30, v34  }
0x41: {  	v3 =	vand.u32 $0x7, v3  }
0x42: {  	v3 =	vor.u32 v3, v4  }
0x43: {  	v4 =	vperm.xlane v3, v0;
	_ =	sdelay $0x1  }
0x44: {  	v4 =	vadd.s32 v1, v4;
	_ =	sdelay $0x3  }
0x45: {  	s18 =	simm.s32 $0x6200;
	v3 =	vperm.xlane v3, v2  }
0x46: {  	[tilespmem:s18], [sflag:$0x1] =	stream.indirect_vreg.gather [hbm4b:s1+s3], $0x80, v4, vm0, $0xb8;
	[tilespmem:$0x18200] =	vst v63  }
0x47: {  	s19 =	simm.s32 $0x6A00;
	v3 =	vadd.s32 v1, v3  }
0x48: {  	[tilespmem:s19], [sflag:$0x1] =	stream.indirect_vreg.gather [hbm4b:s4+s3], $0x80, v4, vm0, $0xb8;
	[tilespmem:$0x18200] =	vst v63  }
0x49: {  	s20 =	simm.s32 $0x7200  }
0x4a: {  	[tilespmem:s20], [sflag:$0x1] =	stream.indirect_vreg.gather [hbm4b:s5+s3], $0x80, v4, vm0, $0xb8;
	[tilespmem:$0x18200] =	vst v63  }
0x4b: {  	s21 =	simm.s32 $0x7A00  }
0x4c: {  	[tilespmem:s21], [sflag:$0x1] =	stream.indirect_vreg.gather [hbm4b:s1+s3], $0x80, v3, vm0, $0xb8;
	[tilespmem:$0x18200] =	vst v63  }
0x4d: {  	s22 =	simm.s32 $0x8200  }
0x4e: {  	[tilespmem:s22], [sflag:$0x1] =	stream.indirect_vreg.gather [hbm4b:s4+s3], $0x80, v3, vm0, $0xb8;
	[tilespmem:$0x18200] =	vst v63  }
0x4f: {  	s23 =	simm.s32 $0x8A00  }
0x50: {  	[tilespmem:s23], [sflag:$0x1] =	stream.indirect_vreg.gather [hbm4b:s5+s3], $0x80, v3, vm0, $0xb8;
	[tilespmem:$0x18200] =	vst v63  }
0x51: {  	v3 =	vld [tilespmem:$0x30];
	_ =	sdelay $0x4  }
0x52: {  	v35 =	vshrl.u32 v3, $0x3  }
0x53: {  	v4 =	vmul.u32 $0x30, v35  }
0x54: {  	v3 =	vand.u32 $0x7, v3  }
0x55: {  	v3 =	vor.u32 v3, v4  }
0x56: {  	v4 =	vperm.xlane v3, v0;
	_ =	sdelay $0x1  }
0x57: {  	v4 =	vadd.s32 v1, v4;
	_ =	sdelay $0x3  }
0x58: {  	s24 =	simm.s32 $0x9200;
	v3 =	vperm.xlane v3, v2  }
0x59: {  	[tilespmem:s24], [sflag:$0x1] =	stream.indirect_vreg.gather [hbm4b:s1+s3], $0x80, v4, vm0, $0xb8;
	[tilespmem:$0x18200] =	vst v63  }
0x5a: {  	s25 =	simm.s32 $0x9A00;
	v3 =	vadd.s32 v1, v3  }
0x5b: {  	[tilespmem:s25], [sflag:$0x1] =	stream.indirect_vreg.gather [hbm4b:s4+s3], $0x80, v4, vm0, $0xb8;
	[tilespmem:$0x18200] =	vst v63  }
0x5c: {  	s26 =	simm.s32 $0xA200  }
0x5d: {  	[tilespmem:s26], [sflag:$0x1] =	stream.indirect_vreg.gather [hbm4b:s5+s3], $0x80, v4, vm0, $0xb8;
	[tilespmem:$0x18200] =	vst v63  }
0x5e: {  	s28 =	simm.s32 $0xAA00  }
0x5f: {  	[tilespmem:s28], [sflag:$0x1] =	stream.indirect_vreg.gather [hbm4b:s1+s3], $0x80, v3, vm0, $0xb8;
	[tilespmem:$0x18200] =	vst v63  }
0x60: {  	s29 =	simm.s32 $0xB200  }
0x61: {  	[tilespmem:s29], [sflag:$0x1] =	stream.indirect_vreg.gather [hbm4b:s4+s3], $0x80, v3, vm0, $0xb8;
	[tilespmem:$0x18200] =	vst v63  }
0x62: {  	s30 =	simm.s32 $0xBA00  }
0x63: {  	[tilespmem:s30], [sflag:$0x1] =	stream.indirect_vreg.gather [hbm4b:s5+s3], $0x80, v3, vm0, $0xb8;
	[tilespmem:$0x18200] =	vst v63  }
0x64: {  	v3 =	vld [tilespmem:$0x40];
	_ =	sdelay $0x4  }
0x65: {  	v36 =	vshrl.u32 v3, $0x3  }
0x66: {  	v4 =	vmul.u32 $0x30, v36  }
0x67: {  	v3 =	vand.u32 $0x7, v3  }
0x68: {  	v3 =	vor.u32 v3, v4  }
0x69: {  	v4 =	vperm.xlane v3, v0;
	_ =	sdelay $0x1  }
0x6a: {  	v4 =	vadd.s32 v1, v4;
	_ =	sdelay $0x3  }
0x6b: {  	s31 =	simm.s32 $0xC200;
	v3 =	vperm.xlane v3, v2  }
0x6c: {  	[tilespmem:s31], [sflag:$0x1] =	stream.indirect_vreg.gather [hbm4b:s1+s3], $0x80, v4, vm0, $0xb8;
	[tilespmem:$0x18200] =	vst v63  }
0x6d: {  	s2 =	simm.s32 $0xCA00;
	v3 =	vadd.s32 v1, v3  }
0x6e: {  	[tilespmem:s2], [sflag:$0x1] =	stream.indirect_vreg.gather [hbm4b:s4+s3], $0x80, v4, vm0, $0xb8;
	[tilespmem:$0x18200] =	vst v63  }
0x6f: {  	s14 =	simm.s32 $0xD200  }
0x70: {  	[tilespmem:s14], [sflag:$0x1] =	stream.indirect_vreg.gather [hbm4b:s5+s3], $0x80, v4, vm0, $0xb8;
	[tilespmem:$0x18200] =	vst v63  }
0x71: {  	s15 =	simm.s32 $0xDA00  }
0x72: {  	[tilespmem:s15], [sflag:$0x1] =	stream.indirect_vreg.gather [hbm4b:s1+s3], $0x80, v3, vm0, $0xb8;
	[tilespmem:$0x18200] =	vst v63  }
0x73: {  	s16 =	simm.s32 $0xE200  }
0x74: {  	[tilespmem:s16], [sflag:$0x1] =	stream.indirect_vreg.gather [hbm4b:s4+s3], $0x80, v3, vm0, $0xb8;
	[tilespmem:$0x18200] =	vst v63  }
0x75: {  	s17 =	simm.s32 $0xEA00  }
0x76: {  	[tilespmem:s17], [sflag:$0x1] =	stream.indirect_vreg.gather [hbm4b:s5+s3], $0x80, v3, vm0, $0xb8;
	[tilespmem:$0x18200] =	vst v63  }
0x77: {  	v3 =	vld [tilespmem:$0x50];
	_ =	sdelay $0x4  }
0x78: {  	v37 =	vshrl.u32 v3, $0x3  }
0x79: {  	v4 =	vmul.u32 $0x30, v37  }
0x7a: {  	v3 =	vand.u32 $0x7, v3  }
0x7b: {  	v3 =	vor.u32 v3, v4  }
0x7c: {  	v4 =	vperm.xlane v3, v0;
	_ =	sdelay $0x1  }
0x7d: {  	v4 =	vadd.s32 v1, v4;
	_ =	sdelay $0x3  }
0x7e: {  	s18 =	simm.s32 $0xF200;
	v3 =	vperm.xlane v3, v2  }
0x7f: {  	[tilespmem:s18], [sflag:$0x1] =	stream.indirect_vreg.gather [hbm4b:s1+s3], $0x80, v4, vm0, $0xb8;
	[tilespmem:$0x18200] =	vst v63  }
0x80: {  	s19 =	simm.s32 $0xFA00;
	v3 =	vadd.s32 v1, v3  }
0x81: {  	[tilespmem:s19], [sflag:$0x1] =	stream.indirect_vreg.gather [hbm4b:s4+s3], $0x80, v4, vm0, $0xb8;
	[tilespmem:$0x18200] =	vst v63  }
0x82: {  	s20 =	simm.s32 $0x10200  }
0x83: {  	[tilespmem:s20], [sflag:$0x1] =	stream.indirect_vreg.gather [hbm4b:s5+s3], $0x80, v4, vm0, $0xb8;
	[tilespmem:$0x18200] =	vst v63  }
0x84: {  	s22 =	simm.s32 $0x10A00  }
0x85: {  	[tilespmem:s22], [sflag:$0x1] =	stream.indirect_vreg.gather [hbm4b:s1+s3], $0x80, v3, vm0, $0xb8;
	[tilespmem:$0x18200] =	vst v63  }
0x86: {  	s23 =	simm.s32 $0x11200  }
0x87: {  	[tilespmem:s23], [sflag:$0x1] =	stream.indirect_vreg.gather [hbm4b:s4+s3], $0x80, v3, vm0, $0xb8;
	[tilespmem:$0x18200] =	vst v63  }
0x88: {  	s24 =	simm.s32 $0x11A00  }
0x89: {  	[tilespmem:s24], [sflag:$0x1] =	stream.indirect_vreg.gather [hbm4b:s5+s3], $0x80, v3, vm0, $0xb8;
	[tilespmem:$0x18200] =	vst v63  }
0x8a: {  	v3 =	vld [tilespmem:$0x60];
	_ =	sdelay $0x4  }
0x8b: {  	v38 =	vshrl.u32 v3, $0x3  }
0x8c: {  	v4 =	vmul.u32 $0x30, v38  }
0x8d: {  	v3 =	vand.u32 $0x7, v3  }
0x8e: {  	v3 =	vor.u32 v3, v4  }
0x8f: {  	v4 =	vperm.xlane v3, v0;
	_ =	sdelay $0x1  }
0x90: {  	v4 =	vadd.s32 v1, v4;
	_ =	sdelay $0x3  }
0x91: {  	s25 =	simm.s32 $0x12200;
	v3 =	vperm.xlane v3, v2  }
0x92: {  	[tilespmem:s25], [sflag:$0x1] =	stream.indirect_vreg.gather [hbm4b:s1+s3], $0x80, v4, vm0, $0xb8;
	[tilespmem:$0x18200] =	vst v63  }
0x93: {  	s26 =	simm.s32 $0x12A00;
	v3 =	vadd.s32 v1, v3  }
0x94: {  	[tilespmem:s26], [sflag:$0x1] =	stream.indirect_vreg.gather [hbm4b:s4+s3], $0x80, v4, vm0, $0xb8;
	[tilespmem:$0x18200] =	vst v63  }
0x95: {  	s28 =	simm.s32 $0x13200  }
0x96: {  	[tilespmem:s28], [sflag:$0x1] =	stream.indirect_vreg.gather [hbm4b:s5+s3], $0x80, v4, vm0, $0xb8;
	[tilespmem:$0x18200] =	vst v63  }
0x97: {  	s29 =	simm.s32 $0x13A00  }
0x98: {  	[tilespmem:s29], [sflag:$0x1] =	stream.indirect_vreg.gather [hbm4b:s1+s3], $0x80, v3, vm0, $0xb8;
	[tilespmem:$0x18200] =	vst v63  }
0x99: {  	s30 =	simm.s32 $0x14200  }
0x9a: {  	[tilespmem:s30], [sflag:$0x1] =	stream.indirect_vreg.gather [hbm4b:s4+s3], $0x80, v3, vm0, $0xb8;
	[tilespmem:$0x18200] =	vst v63  }
0x9b: {  	s31 =	simm.s32 $0x14A00  }
0x9c: {  	[tilespmem:s31], [sflag:$0x1] =	stream.indirect_vreg.gather [hbm4b:s5+s3], $0x80, v3, vm0, $0xb8;
	[tilespmem:$0x18200] =	vst v63  }
0x9d: {  	v3 =	vld [tilespmem:$0x70];
	_ =	sdelay $0x4  }
0x9e: {  	v39 =	vshrl.u32 v3, $0x3  }
0x9f: {  	v4 =	vmul.u32 $0x30, v39  }
0xa0: {  	v3 =	vand.u32 $0x7, v3  }
0xa1: {  	v3 =	vor.u32 v3, v4  }
0xa2: {  	v4 =	vperm.xlane v3, v0;
	_ =	sdelay $0x1  }
0xa3: {  	v4 =	vadd.s32 v1, v4;
	_ =	sdelay $0x3  }
0xa4: {  	s2 =	simm.s32 $0x15200;
	v3 =	vperm.xlane v3, v2  }
0xa5: {  	[tilespmem:s2], [sflag:$0x1] =	stream.indirect_vreg.gather [hbm4b:s1+s3], $0x80, v4, vm0, $0xb8;
	[tilespmem:$0x18200] =	vst v63  }
0xa6: {  	s14 =	simm.s32 $0x15A00;
	v3 =	vadd.s32 v1, v3  }
0xa7: {  	[tilespmem:s14], [sflag:$0x1] =	stream.indirect_vreg.gather [hbm4b:s4+s3], $0x80, v4, vm0, $0xb8;
	[tilespmem:$0x18200] =	vst v63  }
0xa8: {  	s15 =	simm.s32 $0x16200  }
0xa9: {  	[tilespmem:s15], [sflag:$0x1] =	stream.indirect_vreg.gather [hbm4b:s5+s3], $0x80, v4, vm0, $0xb8;
	[tilespmem:$0x18200] =	vst v63  }
0xaa: {  	s17 =	simm.s32 $0x16A00  }
0xab: {  	[tilespmem:s17], [sflag:$0x1] =	stream.indirect_vreg.gather [hbm4b:s1+s3], $0x80, v3, vm0, $0xb8;
	[tilespmem:$0x18200] =	vst v63  }
0xac: {  	s18 =	simm.s32 $0x17200  }
0xad: {  	[tilespmem:s18], [sflag:$0x1] =	stream.indirect_vreg.gather [hbm4b:s4+s3], $0x80, v3, vm0, $0xb8;
	[tilespmem:$0x18200] =	vst v63  }
0xae: {  	s0 =	simm.s32 $0x1;
	s19 =	simm.s32 $0x17A00  }
0xaf: {  	[tilespmem:s19], [sflag:$0x1] =	stream.indirect_vreg.gather [hbm4b:s5+s3], $0x80, v3, vm0, $0xb8;
	[tilespmem:$0x18200] =	vst v63  }
0xb0: {  	_ =	swait.ge [sflag:s0], $0x18000  }
0xb1: {  	s17 =	simm.s32 @!p0 $0x0;
	[sflag:s0] =	ssyncset.done $0x0  }
0xb2: {  	s18 =	simm.s32 @!p0 $0x200;
	s2 =	rddreg [dreg:$0x9];
	[sflag:s0] =	ssyncadd.s32 $0xFFFE8000  }
0xb3: {  	[tilespmem:s18], [sflag:$0x3] =	stream.linear.gather @!p0 [hbm4b:s2+s17], $0x80, $0x38;
	[tilespmem:$0x18200] =	vst v63  }
0xb4: {  	s19 =	simm.s32 @!p0 $0x600;
	s18 =	sadd.s32 @!p0 $0x80, s2  }
0xb5: {  	[tilespmem:s19], [sflag:$0x3] =	stream.linear.gather @!p0 [hbm4b:s18+s17], $0x80, $0x38;
	[tilespmem:$0x18200] =	vst v63  }
0xb6: {  	s18 =	sadd.s32 @!p0 $0x100, s2;
	s19 =	simm.s32 @!p0 $0xA00  }
0xb7: {  	[tilespmem:s19], [sflag:$0x3] =	stream.linear.gather @!p0 [hbm4b:s18+s17], $0x80, $0x38;
	[tilespmem:$0x18200] =	vst v63  }
0xb8: {  	s18 =	sadd.s32 @!p0 $0x180, s2;
	s19 =	simm.s32 @!p0 $0xE00  }
0xb9: {  	[tilespmem:s19], [sflag:$0x3] =	stream.linear.gather @!p0 [hbm4b:s18+s17], $0x80, $0x38;
	[tilespmem:$0x18200] =	vst v63  }
0xba: {  	s18 =	sadd.s32 @!p0 $0x200, s2;
	s19 =	simm.s32 @!p0 $0x1200  }
0xbb: {  	[tilespmem:s19], [sflag:$0x3] =	stream.linear.gather @!p0 [hbm4b:s18+s17], $0x80, $0x38;
	[tilespmem:$0x18200] =	vst v63  }
0xbc: {  	s18 =	sadd.s32 @!p0 $0x280, s2;
	s19 =	simm.s32 @!p0 $0x1600  }
0xbd: {  	[tilespmem:s19], [sflag:$0x3] =	stream.linear.gather @!p0 [hbm4b:s18+s17], $0x80, $0x38;
	[tilespmem:$0x18200] =	vst v63  }
0xbe: {  	s18 =	simm.s32 @!p0 $0x3  }
0xbf: {  	_ =	swait.ge @!p0 [sflag:s18], $0x300  }
0xc0: {  	[sflag:s18] =	ssyncset.done @!p0 $0x0  }
0xc1: {  	s19 =	simm.s32 @!p0 $0x16A80;
	s2 =	rddreg [dreg:$0x8];
	[sflag:s18] =	ssyncadd.s32 @!p0 $0xFFFFFD00  }
0xc2: {  	[tilespmem:s19], [sflag:$0x3] =	stream.linear.gather @!p0 [hbm4b:s2+s17], $0x80, $0x38;
	[tilespmem:$0x18200] =	vst v63  }
0xc3: {  	s20 =	simm.s32 @!p0 $0x16E80;
	s19 =	sadd.s32 @!p0 $0x80, s2  }
0xc4: {  	[tilespmem:s20], [sflag:$0x3] =	stream.linear.gather @!p0 [hbm4b:s19+s17], $0x80, $0x38;
	[tilespmem:$0x18200] =	vst v63  }
0xc5: {  	s19 =	sadd.s32 @!p0 $0x100, s2;
	s20 =	simm.s32 @!p0 $0x17280  }
0xc6: {  	[tilespmem:s20], [sflag:$0x3] =	stream.linear.gather @!p0 [hbm4b:s19+s17], $0x80, $0x38;
	[tilespmem:$0x18200] =	vst v63  }
0xc7: {  	s19 =	sadd.s32 @!p0 $0x180, s2;
	s20 =	simm.s32 @!p0 $0x17680  }
0xc8: {  	[tilespmem:s20], [sflag:$0x3] =	stream.linear.gather @!p0 [hbm4b:s19+s17], $0x80, $0x38;
	[tilespmem:$0x18200] =	vst v63  }
0xc9: {  	s19 =	sadd.s32 @!p0 $0x200, s2;
	s20 =	simm.s32 @!p0 $0x17A80  }
0xca: {  	[tilespmem:s20], [sflag:$0x3] =	stream.linear.gather @!p0 [hbm4b:s19+s17], $0x80, $0x38;
	[tilespmem:$0x18200] =	vst v63  }
0xcb: {  	s19 =	sadd.s32 @!p0 $0x280, s2;
	s20 =	simm.s32 @!p0 $0x17E80  }
0xcc: {  	[tilespmem:s20], [sflag:$0x3] =	stream.linear.gather @!p0 [hbm4b:s19+s17], $0x80, $0x38;
	[tilespmem:$0x18200] =	vst v63  }
0xcd: {  	_ =	swait.ge @!p0 [sflag:s18], $0x300  }
0xce: {  	[sflag:s18] =	ssyncset.done @!p0 $0x0  }
0xcf: {  	[sflag:s18] =	ssyncadd.s32 @!p0 $0xFFFFFD00  }
0xd0: {  	v3 =	vld [tilespmem:$0x100];
	_ =	sdelay $0x4  }
0xd1: {  	v40 =	vshrl.u32 v3, $0x3  }
0xd2: {  	v4 =	vmul.u32 $0x30, v40  }
0xd3: {  	v3 =	vand.u32 $0x7, v3  }
0xd4: {  	v3 =	vor.u32 v3, v4  }
0xd5: {  	v4 =	vperm.xlane v3, v0;
	_ =	sdelay $0x1  }
0xd6: {  	v4 =	vadd.s32 v1, v4;
	_ =	sdelay $0x3  }
0xd7: {  	s20 =	simm.s32 $0x200;
	v3 =	vperm.xlane v3, v2  }
0xd8: {  	[hbm4b:s8+s3] =	stream.indirect_vreg.scatter [tilespmem:s20], [sflag:$0x2], $0x80, v4, vm0, $0xb8;
	[tilespmem:$0x18200] =	vst v63  }
0xd9: {  	s22 =	simm.s32 $0xA00;
	s17 =	sadd.s32 $0x100, s8;
	v3 =	vadd.s32 v1, v3  }
0xda: {  	[hbm4b:s17+s3] =	stream.indirect_vreg.scatter [tilespmem:s22], [sflag:$0x2], $0x80, v4, vm0, $0xb8;
	[tilespmem:$0x18200] =	vst v63  }
0xdb: {  	s23 =	simm.s32 $0x1200;
	s18 =	sadd.s32 $0x200, s8  }
0xdc: {  	[hbm4b:s18+s3] =	stream.indirect_vreg.scatter [tilespmem:s23], [sflag:$0x2], $0x80, v4, vm0, $0xb8;
	[tilespmem:$0x18200] =	vst v63  }
0xdd: {  	s26 =	simm.s32 $0x1A00  }
0xde: {  	[hbm4b:s8+s3] =	stream.indirect_vreg.scatter [tilespmem:s26], [sflag:$0x2], $0x80, v3, vm0, $0xb8;
	[tilespmem:$0x18200] =	vst v63  }
0xdf: {  	s28 =	simm.s32 $0x2200  }
0xe0: {  	[hbm4b:s17+s3] =	stream.indirect_vreg.scatter [tilespmem:s28], [sflag:$0x2], $0x80, v3, vm0, $0xb8;
	[tilespmem:$0x18200] =	vst v63  }
0xe1: {  	s31 =	simm.s32 $0x2A00  }
0xe2: {  	[hbm4b:s18+s3] =	stream.indirect_vreg.scatter [tilespmem:s31], [sflag:$0x2], $0x80, v3, vm0, $0xb8;
	[tilespmem:$0x18200] =	vst v63  }
0xe3: {  	v3 =	vld [tilespmem:$0x110];
	_ =	sdelay $0x4  }
0xe4: {  	v41 =	vshrl.u32 v3, $0x3  }
0xe5: {  	v4 =	vmul.u32 $0x30, v41  }
0xe6: {  	v3 =	vand.u32 $0x7, v3  }
0xe7: {  	v3 =	vor.u32 v3, v4  }
0xe8: {  	v4 =	vperm.xlane v3, v0;
	_ =	sdelay $0x1  }
0xe9: {  	v4 =	vadd.s32 v1, v4;
	_ =	sdelay $0x3  }
0xea: {  	s14 =	simm.s32 $0x3200;
	v3 =	vperm.xlane v3, v2  }
0xeb: {  	[hbm4b:s8+s3] =	stream.indirect_vreg.scatter [tilespmem:s14], [sflag:$0x2], $0x80, v4, vm0, $0xb8;
	[tilespmem:$0x18200] =	vst v63  }
0xec: {  	s15 =	simm.s32 $0x3A00;
	v3 =	vadd.s32 v1, v3  }
0xed: {  	[hbm4b:s17+s3] =	stream.indirect_vreg.scatter [tilespmem:s15], [sflag:$0x2], $0x80, v4, vm0, $0xb8;
	[tilespmem:$0x18200] =	vst v63  }
0xee: {  	s19 =	simm.s32 $0x4200  }
0xef: {  	[hbm4b:s18+s3] =	stream.indirect_vreg.scatter [tilespmem:s19], [sflag:$0x2], $0x80, v4, vm0, $0xb8;
	[tilespmem:$0x18200] =	vst v63  }
0xf0: {  	s20 =	simm.s32 $0x4A00  }
0xf1: {  	[hbm4b:s8+s3] =	stream.indirect_vreg.scatter [tilespmem:s20], [sflag:$0x2], $0x80, v3, vm0, $0xb8;
	[tilespmem:$0x18200] =	vst v63  }
0xf2: {  	s20 =	simm.s32 $0x5200  }
0xf3: {  	[hbm4b:s17+s3] =	stream.indirect_vreg.scatter [tilespmem:s20], [sflag:$0x2], $0x80, v3, vm0, $0xb8;
	[tilespmem:$0x18200] =	vst v63  }
0xf4: {  	s22 =	simm.s32 $0x5A00  }
0xf5: {  	[hbm4b:s18+s3] =	stream.indirect_vreg.scatter [tilespmem:s22], [sflag:$0x2], $0x80, v3, vm0, $0xb8;
	[tilespmem:$0x18200] =	vst v63  }
0xf6: {  	v3 =	vld [tilespmem:$0x120];
	_ =	sdelay $0x4  }
0xf7: {  	v42 =	vshrl.u32 v3, $0x3  }
0xf8: {  	v4 =	vmul.u32 $0x30, v42  }
0xf9: {  	v3 =	vand.u32 $0x7, v3  }
0xfa: {  	v3 =	vor.u32 v3, v4  }
0xfb: {  	v4 =	vperm.xlane v3, v0;
	_ =	sdelay $0x1  }
0xfc: {  	v4 =	vadd.s32 v1, v4;
	_ =	sdelay $0x3  }
0xfd: {  	s23 =	simm.s32 $0x6200;
	v3 =	vperm.xlane v3, v2  }
0xfe: {  	[hbm4b:s8+s3] =	stream.indirect_vreg.scatter [tilespmem:s23], [sflag:$0x2], $0x80, v4, vm0, $0xb8;
	[tilespmem:$0x18200] =	vst v63  }
0xff: {  	s26 =	simm.s32 $0x6A00;
	v3 =	vadd.s32 v1, v3  }
0x100: {  	[hbm4b:s17+s3] =	stream.indirect_vreg.scatter [tilespmem:s26], [sflag:$0x2], $0x80, v4, vm0, $0xb8;
	[tilespmem:$0x18200] =	vst v63  }
0x101: {  	s6 =	simm.s32 $0x7200  }
0x102: {  	[hbm4b:s18+s3] =	stream.indirect_vreg.scatter [tilespmem:s6], [sflag:$0x2], $0x80, v4, vm0, $0xb8;
	[tilespmem:$0x18200] =	vst v63  }
0x103: {  	s7 =	simm.s32 $0x7A00  }
0x104: {  	[hbm4b:s8+s3] =	stream.indirect_vreg.scatter [tilespmem:s7], [sflag:$0x2], $0x80, v3, vm0, $0xb8;
	[tilespmem:$0x18200] =	vst v63  }
0x105: {  	s28 =	simm.s32 $0x8200  }
0x106: {  	[hbm4b:s17+s3] =	stream.indirect_vreg.scatter [tilespmem:s28], [sflag:$0x2], $0x80, v3, vm0, $0xb8;
	[tilespmem:$0x18200] =	vst v63  }
0x107: {  	s10 =	simm.s32 $0x8A00  }
0x108: {  	[hbm4b:s18+s3] =	stream.indirect_vreg.scatter [tilespmem:s10], [sflag:$0x2], $0x80, v3, vm0, $0xb8;
	[tilespmem:$0x18200] =	vst v63  }
0x109: {  	v3 =	vld [tilespmem:$0x130];
	_ =	sdelay $0x4  }
0x10a: {  	v43 =	vshrl.u32 v3, $0x3  }
0x10b: {  	v4 =	vmul.u32 $0x30, v43  }
0x10c: {  	v3 =	vand.u32 $0x7, v3  }
0x10d: {  	v3 =	vor.u32 v3, v4  }
0x10e: {  	v4 =	vperm.xlane v3, v0;
	_ =	sdelay $0x1  }
0x10f: {  	v4 =	vadd.s32 v1, v4;
	_ =	sdelay $0x3  }
0x110: {  	s11 =	simm.s32 $0x9200;
	v3 =	vperm.xlane v3, v2  }
0x111: {  	[hbm4b:s8+s3] =	stream.indirect_vreg.scatter [tilespmem:s11], [sflag:$0x2], $0x80, v4, vm0, $0xb8;
	[tilespmem:$0x18200] =	vst v63  }
0x112: {  	s31 =	simm.s32 $0x9A00;
	v3 =	vadd.s32 v1, v3  }
0x113: {  	[hbm4b:s17+s3] =	stream.indirect_vreg.scatter [tilespmem:s31], [sflag:$0x2], $0x80, v4, vm0, $0xb8;
	[tilespmem:$0x18200] =	vst v63  }
0x114: {  	s7 =	simm.s32 $0xA200  }
0x115: {  	[hbm4b:s18+s3] =	stream.indirect_vreg.scatter [tilespmem:s7], [sflag:$0x2], $0x80, v4, vm0, $0xb8;
	[tilespmem:$0x18200] =	vst v63  }
0x116: {  	s10 =	simm.s32 $0xAA00  }
0x117: {  	[hbm4b:s8+s3] =	stream.indirect_vreg.scatter [tilespmem:s10], [sflag:$0x2], $0x80, v3, vm0, $0xb8;
	[tilespmem:$0x18200] =	vst v63  }
0x118: {  	s11 =	simm.s32 $0xB200  }
0x119: {  	[hbm4b:s17+s3] =	stream.indirect_vreg.scatter [tilespmem:s11], [sflag:$0x2], $0x80, v3, vm0, $0xb8;
	[tilespmem:$0x18200] =	vst v63  }
0x11a: {  	s12 =	simm.s32 $0xBA00  }
0x11b: {  	[hbm4b:s18+s3] =	stream.indirect_vreg.scatter [tilespmem:s12], [sflag:$0x2], $0x80, v3, vm0, $0xb8;
	[tilespmem:$0x18200] =	vst v63  }
0x11c: {  	v3 =	vld [tilespmem:$0x140];
	_ =	sdelay $0x4  }
0x11d: {  	v44 =	vshrl.u32 v3, $0x3  }
0x11e: {  	v4 =	vmul.u32 $0x30, v44  }
0x11f: {  	v3 =	vand.u32 $0x7, v3  }
0x120: {  	v3 =	vor.u32 v3, v4  }
0x121: {  	v4 =	vperm.xlane v3, v0;
	_ =	sdelay $0x1  }
0x122: {  	v4 =	vadd.s32 v1, v4;
	_ =	sdelay $0x3  }
0x123: {  	s13 =	simm.s32 $0xC200;
	v3 =	vperm.xlane v3, v2  }
0x124: {  	[hbm4b:s8+s3] =	stream.indirect_vreg.scatter [tilespmem:s13], [sflag:$0x2], $0x80, v4, vm0, $0xb8;
	[tilespmem:$0x18200] =	vst v63  }
0x125: {  	s12 =	simm.s32 $0xCA00;
	v3 =	vadd.s32 v1, v3  }
0x126: {  	[hbm4b:s17+s3] =	stream.indirect_vreg.scatter [tilespmem:s12], [sflag:$0x2], $0x80, v4, vm0, $0xb8;
	[tilespmem:$0x18200] =	vst v63  }
0x127: {  	s13 =	simm.s32 $0xD200  }
0x128: {  	[hbm4b:s18+s3] =	stream.indirect_vreg.scatter [tilespmem:s13], [sflag:$0x2], $0x80, v4, vm0, $0xb8;
	[tilespmem:$0x18200] =	vst v63  }
0x129: {  	s14 =	simm.s32 $0xDA00  }
0x12a: {  	[hbm4b:s8+s3] =	stream.indirect_vreg.scatter [tilespmem:s14], [sflag:$0x2], $0x80, v3, vm0, $0xb8;
	[tilespmem:$0x18200] =	vst v63  }
0x12b: {  	s15 =	simm.s32 $0xE200  }
0x12c: {  	[hbm4b:s17+s3] =	stream.indirect_vreg.scatter [tilespmem:s15], [sflag:$0x2], $0x80, v3, vm0, $0xb8;
	[tilespmem:$0x18200] =	vst v63  }
0x12d: {  	s16 =	simm.s32 $0xEA00  }
0x12e: {  	[hbm4b:s18+s3] =	stream.indirect_vreg.scatter [tilespmem:s16], [sflag:$0x2], $0x80, v3, vm0, $0xb8;
	[tilespmem:$0x18200] =	vst v63  }
0x12f: {  	v3 =	vld [tilespmem:$0x150];
	_ =	sdelay $0x4  }
0x130: {  	v45 =	vshrl.u32 v3, $0x3  }
0x131: {  	v4 =	vmul.u32 $0x30, v45  }
0x132: {  	v3 =	vand.u32 $0x7, v3  }
0x133: {  	v3 =	vor.u32 v3, v4  }
0x134: {  	v4 =	vperm.xlane v3, v0;
	_ =	sdelay $0x1  }
0x135: {  	v4 =	vadd.s32 v1, v4;
	_ =	sdelay $0x3  }
0x136: {  	s21 =	simm.s32 $0xF200;
	v3 =	vperm.xlane v3, v2  }
0x137: {  	[hbm4b:s8+s3] =	stream.indirect_vreg.scatter [tilespmem:s21], [sflag:$0x2], $0x80, v4, vm0, $0xb8;
	[tilespmem:$0x18200] =	vst v63  }
0x138: {  	s16 =	simm.s32 $0xFA00;
	v3 =	vadd.s32 v1, v3  }
0x139: {  	[hbm4b:s17+s3] =	stream.indirect_vreg.scatter [tilespmem:s16], [sflag:$0x2], $0x80, v4, vm0, $0xb8;
	[tilespmem:$0x18200] =	vst v63  }
0x13a: {  	s21 =	simm.s32 $0x10200  }
0x13b: {  	[hbm4b:s18+s3] =	stream.indirect_vreg.scatter [tilespmem:s21], [sflag:$0x2], $0x80, v4, vm0, $0xb8;
	[tilespmem:$0x18200] =	vst v63  }
0x13c: {  	s22 =	simm.s32 $0x10A00  }
0x13d: {  	[hbm4b:s8+s3] =	stream.indirect_vreg.scatter [tilespmem:s22], [sflag:$0x2], $0x80, v3, vm0, $0xb8;
	[tilespmem:$0x18200] =	vst v63  }
0x13e: {  	s23 =	simm.s32 $0x11200  }
0x13f: {  	[hbm4b:s17+s3] =	stream.indirect_vreg.scatter [tilespmem:s23], [sflag:$0x2], $0x80, v3, vm0, $0xb8;
	[tilespmem:$0x18200] =	vst v63  }
0x140: {  	s24 =	simm.s32 $0x11A00  }
0x141: {  	[hbm4b:s18+s3] =	stream.indirect_vreg.scatter [tilespmem:s24], [sflag:$0x2], $0x80, v3, vm0, $0xb8;
	[tilespmem:$0x18200] =	vst v63  }
0x142: {  	v3 =	vld [tilespmem:$0x160];
	_ =	sdelay $0x4  }
0x143: {  	v46 =	vshrl.u32 v3, $0x3  }
0x144: {  	v4 =	vmul.u32 $0x30, v46  }
0x145: {  	v3 =	vand.u32 $0x7, v3  }
0x146: {  	v3 =	vor.u32 v3, v4  }
0x147: {  	v4 =	vperm.xlane v3, v0;
	_ =	sdelay $0x1  }
0x148: {  	v4 =	vadd.s32 v1, v4;
	_ =	sdelay $0x3  }
0x149: {  	s25 =	simm.s32 $0x12200;
	v3 =	vperm.xlane v3, v2  }
0x14a: {  	[hbm4b:s8+s3] =	stream.indirect_vreg.scatter [tilespmem:s25], [sflag:$0x2], $0x80, v4, vm0, $0xb8;
	[tilespmem:$0x18200] =	vst v63  }
0x14b: {  	s24 =	simm.s32 $0x12A00;
	v3 =	vadd.s32 v1, v3  }
0x14c: {  	[hbm4b:s17+s3] =	stream.indirect_vreg.scatter [tilespmem:s24], [sflag:$0x2], $0x80, v4, vm0, $0xb8;
	[tilespmem:$0x18200] =	vst v63  }
0x14d: {  	s25 =	simm.s32 $0x13200  }
0x14e: {  	[hbm4b:s18+s3] =	stream.indirect_vreg.scatter [tilespmem:s25], [sflag:$0x2], $0x80, v4, vm0, $0xb8;
	[tilespmem:$0x18200] =	vst v63  }
0x14f: {  	s26 =	simm.s32 $0x13A00  }
0x150: {  	[hbm4b:s8+s3] =	stream.indirect_vreg.scatter [tilespmem:s26], [sflag:$0x2], $0x80, v3, vm0, $0xb8;
	[tilespmem:$0x18200] =	vst v63  }
0x151: {  	s28 =	simm.s32 $0x14200  }
0x152: {  	[hbm4b:s17+s3] =	stream.indirect_vreg.scatter [tilespmem:s28], [sflag:$0x2], $0x80, v3, vm0, $0xb8;
	[tilespmem:$0x18200] =	vst v63  }
0x153: {  	s29 =	simm.s32 $0x14A00  }
0x154: {  	[hbm4b:s18+s3] =	stream.indirect_vreg.scatter [tilespmem:s29], [sflag:$0x2], $0x80, v3, vm0, $0xb8;
	[tilespmem:$0x18200] =	vst v63  }
0x155: {  	v3 =	vld [tilespmem:$0x170];
	_ =	sdelay $0x4  }
0x156: {  	v47 =	vshrl.u32 v3, $0x3  }
0x157: {  	v4 =	vmul.u32 $0x30, v47  }
0x158: {  	v3 =	vand.u32 $0x7, v3  }
0x159: {  	v3 =	vor.u32 v3, v4  }
0x15a: {  	v4 =	vperm.xlane v3, v0;
	_ =	sdelay $0x1  }
0x15b: {  	v4 =	vadd.s32 v1, v4;
	_ =	sdelay $0x3  }
0x15c: {  	s30 =	simm.s32 $0x15200;
	v3 =	vperm.xlane v3, v2  }
0x15d: {  	[hbm4b:s8+s3] =	stream.indirect_vreg.scatter [tilespmem:s30], [sflag:$0x2], $0x80, v4, vm0, $0xb8;
	[tilespmem:$0x18200] =	vst v63  }
0x15e: {  	s29 =	simm.s32 $0x15A00;
	v3 =	vadd.s32 v1, v3  }
0x15f: {  	[hbm4b:s17+s3] =	stream.indirect_vreg.scatter [tilespmem:s29], [sflag:$0x2], $0x80, v4, vm0, $0xb8;
	[tilespmem:$0x18200] =	vst v63  }
0x160: {  	s30 =	simm.s32 $0x16200  }
0x161: {  	[hbm4b:s18+s3] =	stream.indirect_vreg.scatter [tilespmem:s30], [sflag:$0x2], $0x80, v4, vm0, $0xb8;
	[tilespmem:$0x18200] =	vst v63  }
0x162: {  	s31 =	simm.s32 $0x16A00  }
0x163: {  	[hbm4b:s8+s3] =	stream.indirect_vreg.scatter [tilespmem:s31], [sflag:$0x2], $0x80, v3, vm0, $0xb8;
	[tilespmem:$0x18200] =	vst v63  }
0x164: {  	s6 =	simm.s32 $0x17200  }
0x165: {  	[hbm4b:s17+s3] =	stream.indirect_vreg.scatter [tilespmem:s6], [sflag:$0x2], $0x80, v3, vm0, $0xb8;
	[tilespmem:$0x18200] =	vst v63  }
0x166: {  	s2 =	simm.s32 $0x17A00;
	s19 =	simm.s32 $0x2  }
0x167: {  	[hbm4b:s18+s3] =	stream.indirect_vreg.scatter [tilespmem:s2], [sflag:$0x2], $0x80, v3, vm0, $0xb8;
	[tilespmem:$0x18200] =	vst v63  }
0x168: {  	_ =	swait.ge [sflag:s19], $0x18000  }
0x169: {  	[sflag:s19] =	ssyncset.done $0x0  }
0x16a: {  	[sflag:s19] =	ssyncadd.s32 $0xFFFE8000  }
0x16b: {  	v3 =	vld [tilespmem:$0x80];
	_ =	sdelay $0x4  }
0x16c: {  	v48 =	vshrl.u32 v3, $0x3  }
0x16d: {  	v4 =	vmul.u32 $0x30, v48  }
0x16e: {  	v3 =	vand.u32 $0x7, v3  }
0x16f: {  	v3 =	vor.u32 v3, v4  }
0x170: {  	v4 =	vperm.xlane v3, v0;
	_ =	sdelay $0x1  }
0x171: {  	v4 =	vadd.s32 v1, v4;
	_ =	sdelay $0x3  }
0x172: {  	s2 =	simm.s32 $0x200;
	v3 =	vperm.xlane v3, v2  }
0x173: {  	[tilespmem:s2], [sflag:$0x1] =	stream.indirect_vreg.gather [hbm4b:s1+s3], $0x80, v4, vm0, $0xb8;
	[tilespmem:$0x18200] =	vst v63  }
0x174: {  	v3 =	vadd.s32 v1, v3;
	s2 =	simm.s32 $0xA00  }
0x175: {  	[tilespmem:s2], [sflag:$0x1] =	stream.indirect_vreg.gather [hbm4b:s4+s3], $0x80, v4, vm0, $0xb8;
	[tilespmem:$0x18200] =	vst v63  }
0x176: {  	s2 =	simm.s32 $0x1200  }
0x177: {  	[tilespmem:s2], [sflag:$0x1] =	stream.indirect_vreg.gather [hbm4b:s5+s3], $0x80, v4, vm0, $0xb8;
	[tilespmem:$0x18200] =	vst v63  }
0x178: {  	s2 =	simm.s32 $0x1A00  }
0x179: {  	[tilespmem:s2], [sflag:$0x1] =	stream.indirect_vreg.gather [hbm4b:s1+s3], $0x80, v3, vm0, $0xb8;
	[tilespmem:$0x18200] =	vst v63  }
0x17a: {  	s2 =	simm.s32 $0x2200  }
0x17b: {  	[tilespmem:s2], [sflag:$0x1] =	stream.indirect_vreg.gather [hbm4b:s4+s3], $0x80, v3, vm0, $0xb8;
	[tilespmem:$0x18200] =	vst v63  }
0x17c: {  	s2 =	simm.s32 $0x2A00  }
0x17d: {  	[tilespmem:s2], [sflag:$0x1] =	stream.indirect_vreg.gather [hbm4b:s5+s3], $0x80, v3, vm0, $0xb8;
	[tilespmem:$0x18200] =	vst v63  }
0x17e: {  	v3 =	vld [tilespmem:$0x90];
	_ =	sdelay $0x4  }
0x17f: {  	v49 =	vshrl.u32 v3, $0x3  }
0x180: {  	v4 =	vmul.u32 $0x30, v49  }
0x181: {  	v3 =	vand.u32 $0x7, v3  }
0x182: {  	v3 =	vor.u32 v3, v4  }
0x183: {  	v4 =	vperm.xlane v3, v0;
	_ =	sdelay $0x1  }
0x184: {  	v4 =	vadd.s32 v1, v4;
	_ =	sdelay $0x3  }
0x185: {  	s2 =	simm.s32 $0x3200;
	v3 =	vperm.xlane v3, v2  }
0x186: {  	[tilespmem:s2], [sflag:$0x1] =	stream.indirect_vreg.gather [hbm4b:s1+s3], $0x80, v4, vm0, $0xb8;
	[tilespmem:$0x18200] =	vst v63  }
0x187: {  	v3 =	vadd.s32 v1, v3;
	s2 =	simm.s32 $0x3A00  }
0x188: {  	[tilespmem:s2], [sflag:$0x1] =	stream.indirect_vreg.gather [hbm4b:s4+s3], $0x80, v4, vm0, $0xb8;
	[tilespmem:$0x18200] =	vst v63  }
0x189: {  	s2 =	simm.s32 $0x4200  }
0x18a: {  	[tilespmem:s2], [sflag:$0x1] =	stream.indirect_vreg.gather [hbm4b:s5+s3], $0x80, v4, vm0, $0xb8;
	[tilespmem:$0x18200] =	vst v63  }
0x18b: {  	s2 =	simm.s32 $0x4A00  }
0x18c: {  	[tilespmem:s2], [sflag:$0x1] =	stream.indirect_vreg.gather [hbm4b:s1+s3], $0x80, v3, vm0, $0xb8;
	[tilespmem:$0x18200] =	vst v63  }
0x18d: {  	_ = 	snop  }
0x18e: {  	[tilespmem:s20], [sflag:$0x1] =	stream.indirect_vreg.gather [hbm4b:s4+s3], $0x80, v3, vm0, $0xb8;
	[tilespmem:$0x18200] =	vst v63  }
0x18f: {  	s20 =	simm.s32 $0x5A00  }
0x190: {  	[tilespmem:s20], [sflag:$0x1] =	stream.indirect_vreg.gather [hbm4b:s5+s3], $0x80, v3, vm0, $0xb8;
	[tilespmem:$0x18200] =	vst v63  }
0x191: {  	v3 =	vld [tilespmem:$0xA0];
	_ =	sdelay $0x4  }
0x192: {  	v50 =	vshrl.u32 v3, $0x3  }
0x193: {  	v4 =	vmul.u32 $0x30, v50  }
0x194: {  	v3 =	vand.u32 $0x7, v3  }
0x195: {  	v3 =	vor.u32 v3, v4  }
0x196: {  	v4 =	vperm.xlane v3, v0;
	_ =	sdelay $0x1  }
0x197: {  	v4 =	vadd.s32 v1, v4;
	_ =	sdelay $0x3  }
0x198: {  	s20 =	simm.s32 $0x6200;
	v3 =	vperm.xlane v3, v2  }
0x199: {  	[tilespmem:s20], [sflag:$0x1] =	stream.indirect_vreg.gather [hbm4b:s1+s3], $0x80, v4, vm0, $0xb8;
	[tilespmem:$0x18200] =	vst v63  }
0x19a: {  	s2 =	simm.s32 $0x6A00;
	v3 =	vadd.s32 v1, v3  }
0x19b: {  	[tilespmem:s2], [sflag:$0x1] =	stream.indirect_vreg.gather [hbm4b:s4+s3], $0x80, v4, vm0, $0xb8;
	[tilespmem:$0x18200] =	vst v63  }
0x19c: {  	s20 =	simm.s32 $0x7200  }
0x19d: {  	[tilespmem:s20], [sflag:$0x1] =	stream.indirect_vreg.gather [hbm4b:s5+s3], $0x80, v4, vm0, $0xb8;
	[tilespmem:$0x18200] =	vst v63  }
0x19e: {  	s20 =	simm.s32 $0x7A00  }
0x19f: {  	[tilespmem:s20], [sflag:$0x1] =	stream.indirect_vreg.gather [hbm4b:s1+s3], $0x80, v3, vm0, $0xb8;
	[tilespmem:$0x18200] =	vst v63  }
0x1a0: {  	s2 =	simm.s32 $0x8200  }
0x1a1: {  	[tilespmem:s2], [sflag:$0x1] =	stream.indirect_vreg.gather [hbm4b:s4+s3], $0x80, v3, vm0, $0xb8;
	[tilespmem:$0x18200] =	vst v63  }
0x1a2: {  	s20 =	simm.s32 $0x8A00  }
0x1a3: {  	[tilespmem:s20], [sflag:$0x1] =	stream.indirect_vreg.gather [hbm4b:s5+s3], $0x80, v3, vm0, $0xb8;
	[tilespmem:$0x18200] =	vst v63  }
0x1a4: {  	v3 =	vld [tilespmem:$0xB0];
	_ =	sdelay $0x4  }
0x1a5: {  	v51 =	vshrl.u32 v3, $0x3  }
0x1a6: {  	v4 =	vmul.u32 $0x30, v51  }
0x1a7: {  	v3 =	vand.u32 $0x7, v3  }
0x1a8: {  	v3 =	vor.u32 v3, v4  }
0x1a9: {  	v4 =	vperm.xlane v3, v0;
	_ =	sdelay $0x1  }
0x1aa: {  	v4 =	vadd.s32 v1, v4;
	_ =	sdelay $0x3  }
0x1ab: {  	s20 =	simm.s32 $0x9200;
	v3 =	vperm.xlane v3, v2  }
0x1ac: {  	[tilespmem:s20], [sflag:$0x1] =	stream.indirect_vreg.gather [hbm4b:s1+s3], $0x80, v4, vm0, $0xb8;
	[tilespmem:$0x18200] =	vst v63  }
0x1ad: {  	v3 =	vadd.s32 v1, v3;
	s20 =	simm.s32 $0x9A00  }
0x1ae: {  	[tilespmem:s20], [sflag:$0x1] =	stream.indirect_vreg.gather [hbm4b:s4+s3], $0x80, v4, vm0, $0xb8;
	[tilespmem:$0x18200] =	vst v63  }
0x1af: {  	_ = 	snop  }
0x1b0: {  	[tilespmem:s7], [sflag:$0x1] =	stream.indirect_vreg.gather [hbm4b:s5+s3], $0x80, v4, vm0, $0xb8;
	[tilespmem:$0x18200] =	vst v63  }
0x1b1: {  	_ = 	snop  }
0x1b2: {  	[tilespmem:s10], [sflag:$0x1] =	stream.indirect_vreg.gather [hbm4b:s1+s3], $0x80, v3, vm0, $0xb8;
	[tilespmem:$0x18200] =	vst v63  }
0x1b3: {  	_ = 	snop  }
0x1b4: {  	[tilespmem:s11], [sflag:$0x1] =	stream.indirect_vreg.gather [hbm4b:s4+s3], $0x80, v3, vm0, $0xb8;
	[tilespmem:$0x18200] =	vst v63  }
0x1b5: {  	s20 =	simm.s32 $0xBA00  }
0x1b6: {  	[tilespmem:s20], [sflag:$0x1] =	stream.indirect_vreg.gather [hbm4b:s5+s3], $0x80, v3, vm0, $0xb8;
	[tilespmem:$0x18200] =	vst v63  }
0x1b7: {  	v3 =	vld [tilespmem:$0xC0];
	_ =	sdelay $0x4  }
0x1b8: {  	v52 =	vshrl.u32 v3, $0x3  }
0x1b9: {  	v4 =	vmul.u32 $0x30, v52  }
0x1ba: {  	v3 =	vand.u32 $0x7, v3  }
0x1bb: {  	v3 =	vor.u32 v3, v4  }
0x1bc: {  	v4 =	vperm.xlane v3, v0;
	_ =	sdelay $0x1  }
0x1bd: {  	v4 =	vadd.s32 v1, v4;
	_ =	sdelay $0x3  }
0x1be: {  	s2 =	simm.s32 $0xC200;
	v3 =	vperm.xlane v3, v2  }
0x1bf: {  	[tilespmem:s2], [sflag:$0x1] =	stream.indirect_vreg.gather [hbm4b:s1+s3], $0x80, v4, vm0, $0xb8;
	[tilespmem:$0x18200] =	vst v63  }
0x1c0: {  	v3 =	vadd.s32 v1, v3  }
0x1c1: {  	[tilespmem:s12], [sflag:$0x1] =	stream.indirect_vreg.gather [hbm4b:s4+s3], $0x80, v4, vm0, $0xb8;
	[tilespmem:$0x18200] =	vst v63  }
0x1c2: {  	_ = 	snop  }
0x1c3: {  	[tilespmem:s13], [sflag:$0x1] =	stream.indirect_vreg.gather [hbm4b:s5+s3], $0x80, v4, vm0, $0xb8;
	[tilespmem:$0x18200] =	vst v63  }
0x1c4: {  	_ = 	snop  }
0x1c5: {  	[tilespmem:s14], [sflag:$0x1] =	stream.indirect_vreg.gather [hbm4b:s1+s3], $0x80, v3, vm0, $0xb8;
	[tilespmem:$0x18200] =	vst v63  }
0x1c6: {  	_ = 	snop  }
0x1c7: {  	[tilespmem:s15], [sflag:$0x1] =	stream.indirect_vreg.gather [hbm4b:s4+s3], $0x80, v3, vm0, $0xb8;
	[tilespmem:$0x18200] =	vst v63  }
0x1c8: {  	s2 =	simm.s32 $0xEA00  }
0x1c9: {  	[tilespmem:s2], [sflag:$0x1] =	stream.indirect_vreg.gather [hbm4b:s5+s3], $0x80, v3, vm0, $0xb8;
	[tilespmem:$0x18200] =	vst v63  }
0x1ca: {  	v3 =	vld [tilespmem:$0xD0];
	_ =	sdelay $0x4  }
0x1cb: {  	v53 =	vshrl.u32 v3, $0x3  }
0x1cc: {  	v4 =	vmul.u32 $0x30, v53  }
0x1cd: {  	v3 =	vand.u32 $0x7, v3  }
0x1ce: {  	v3 =	vor.u32 v3, v4  }
0x1cf: {  	v4 =	vperm.xlane v3, v0;
	_ =	sdelay $0x1  }
0x1d0: {  	v4 =	vadd.s32 v1, v4;
	_ =	sdelay $0x3  }
0x1d1: {  	s2 =	simm.s32 $0xF200;
	v3 =	vperm.xlane v3, v2  }
0x1d2: {  	[tilespmem:s2], [sflag:$0x1] =	stream.indirect_vreg.gather [hbm4b:s1+s3], $0x80, v4, vm0, $0xb8;
	[tilespmem:$0x18200] =	vst v63  }
0x1d3: {  	v3 =	vadd.s32 v1, v3  }
0x1d4: {  	[tilespmem:s16], [sflag:$0x1] =	stream.indirect_vreg.gather [hbm4b:s4+s3], $0x80, v4, vm0, $0xb8;
	[tilespmem:$0x18200] =	vst v63  }
0x1d5: {  	_ = 	snop  }
0x1d6: {  	[tilespmem:s21], [sflag:$0x1] =	stream.indirect_vreg.gather [hbm4b:s5+s3], $0x80, v4, vm0, $0xb8;
	[tilespmem:$0x18200] =	vst v63  }
0x1d7: {  	_ = 	snop  }
0x1d8: {  	[tilespmem:s22], [sflag:$0x1] =	stream.indirect_vreg.gather [hbm4b:s1+s3], $0x80, v3, vm0, $0xb8;
	[tilespmem:$0x18200] =	vst v63  }
0x1d9: {  	_ = 	snop  }
0x1da: {  	[tilespmem:s23], [sflag:$0x1] =	stream.indirect_vreg.gather [hbm4b:s4+s3], $0x80, v3, vm0, $0xb8;
	[tilespmem:$0x18200] =	vst v63  }
0x1db: {  	s2 =	simm.s32 $0x11A00  }
0x1dc: {  	[tilespmem:s2], [sflag:$0x1] =	stream.indirect_vreg.gather [hbm4b:s5+s3], $0x80, v3, vm0, $0xb8;
	[tilespmem:$0x18200] =	vst v63  }
0x1dd: {  	v3 =	vld [tilespmem:$0xE0];
	_ =	sdelay $0x4  }
0x1de: {  	v54 =	vshrl.u32 v3, $0x3  }
0x1df: {  	v4 =	vmul.u32 $0x30, v54  }
0x1e0: {  	v3 =	vand.u32 $0x7, v3  }
0x1e1: {  	v3 =	vor.u32 v3, v4  }
0x1e2: {  	v4 =	vperm.xlane v3, v0;
	_ =	sdelay $0x1  }
0x1e3: {  	v4 =	vadd.s32 v1, v4;
	_ =	sdelay $0x3  }
0x1e4: {  	s2 =	simm.s32 $0x12200;
	v3 =	vperm.xlane v3, v2  }
0x1e5: {  	[tilespmem:s2], [sflag:$0x1] =	stream.indirect_vreg.gather [hbm4b:s1+s3], $0x80, v4, vm0, $0xb8;
	[tilespmem:$0x18200] =	vst v63  }
0x1e6: {  	v3 =	vadd.s32 v1, v3  }
0x1e7: {  	[tilespmem:s24], [sflag:$0x1] =	stream.indirect_vreg.gather [hbm4b:s4+s3], $0x80, v4, vm0, $0xb8;
	[tilespmem:$0x18200] =	vst v63  }
0x1e8: {  	_ = 	snop  }
0x1e9: {  	[tilespmem:s25], [sflag:$0x1] =	stream.indirect_vreg.gather [hbm4b:s5+s3], $0x80, v4, vm0, $0xb8;
	[tilespmem:$0x18200] =	vst v63  }
0x1ea: {  	_ = 	snop  }
0x1eb: {  	[tilespmem:s26], [sflag:$0x1] =	stream.indirect_vreg.gather [hbm4b:s1+s3], $0x80, v3, vm0, $0xb8;
	[tilespmem:$0x18200] =	vst v63  }
0x1ec: {  	_ = 	snop  }
0x1ed: {  	[tilespmem:s28], [sflag:$0x1] =	stream.indirect_vreg.gather [hbm4b:s4+s3], $0x80, v3, vm0, $0xb8;
	[tilespmem:$0x18200] =	vst v63  }
0x1ee: {  	s2 =	simm.s32 $0x14A00  }
0x1ef: {  	[tilespmem:s2], [sflag:$0x1] =	stream.indirect_vreg.gather [hbm4b:s5+s3], $0x80, v3, vm0, $0xb8;
	[tilespmem:$0x18200] =	vst v63  }
0x1f0: {  	v3 =	vld [tilespmem:$0xF0];
	_ =	sdelay $0x4  }
0x1f1: {  	v55 =	vshrl.u32 v3, $0x3  }
0x1f2: {  	v4 =	vmul.u32 $0x30, v55  }
0x1f3: {  	v3 =	vand.u32 $0x7, v3  }
0x1f4: {  	v3 =	vor.u32 v3, v4  }
0x1f5: {  	v4 =	vperm.xlane v3, v0;
	_ =	sdelay $0x1  }
0x1f6: {  	v4 =	vadd.s32 v1, v4;
	_ =	sdelay $0x3  }
0x1f7: {  	s2 =	simm.s32 $0x15200;
	v3 =	vperm.xlane v3, v2  }
0x1f8: {  	[tilespmem:s2], [sflag:$0x1] =	stream.indirect_vreg.gather [hbm4b:s1+s3], $0x80, v4, vm0, $0xb8;
	[tilespmem:$0x18200] =	vst v63  }
0x1f9: {  	v3 =	vadd.s32 v1, v3  }
0x1fa: {  	[tilespmem:s29], [sflag:$0x1] =	stream.indirect_vreg.gather [hbm4b:s4+s3], $0x80, v4, vm0, $0xb8;
	[tilespmem:$0x18200] =	vst v63  }
0x1fb: {  	_ = 	snop  }
0x1fc: {  	[tilespmem:s30], [sflag:$0x1] =	stream.indirect_vreg.gather [hbm4b:s5+s3], $0x80, v4, vm0, $0xb8;
	[tilespmem:$0x18200] =	vst v63  }
0x1fd: {  	_ = 	snop  }
0x1fe: {  	[tilespmem:s31], [sflag:$0x1] =	stream.indirect_vreg.gather [hbm4b:s1+s3], $0x80, v3, vm0, $0xb8;
	[tilespmem:$0x18200] =	vst v63  }
0x1ff: {  	_ = 	snop  }
0x200: {  	[tilespmem:s6], [sflag:$0x1] =	stream.indirect_vreg.gather [hbm4b:s4+s3], $0x80, v3, vm0, $0xb8;
	[tilespmem:$0x18200] =	vst v63  }
0x201: {  	s2 =	simm.s32 $0x17A00  }
0x202: {  	[tilespmem:s2], [sflag:$0x1] =	stream.indirect_vreg.gather [hbm4b:s5+s3], $0x80, v3, vm0, $0xb8;
	[tilespmem:$0x18200] =	vst v63  }
0x203: {  	_ =	swait.ge [sflag:s0], $0x18000  }
0x204: {  	[sflag:s0] =	ssyncset.done $0x0  }
0x205: {  	[sflag:s0] =	ssyncadd.s32 $0xFFFE8000  }
0x206: {  	v3 =	vld [tilespmem:$0x180];
	_ =	sdelay $0x4  }
0x207: {  	v56 =	vshrl.u32 v3, $0x3  }
0x208: {  	v4 =	vmul.u32 $0x30, v56  }
0x209: {  	v3 =	vand.u32 $0x7, v3  }
0x20a: {  	v3 =	vor.u32 v3, v4  }
0x20b: {  	v4 =	vperm.xlane v3, v0;
	_ =	sdelay $0x1  }
0x20c: {  	v4 =	vadd.s32 v1, v4;
	_ =	sdelay $0x3  }
0x20d: {  	s0 =	simm.s32 $0x200;
	v3 =	vperm.xlane v3, v2  }
0x20e: {  	[hbm4b:s8+s3] =	stream.indirect_vreg.scatter [tilespmem:s0], [sflag:$0x2], $0x80, v4, vm0, $0xb8;
	[tilespmem:$0x18200] =	vst v63  }
0x20f: {  	v3 =	vadd.s32 v1, v3;
	s0 =	simm.s32 $0xA00  }
0x210: {  	[hbm4b:s17+s3] =	stream.indirect_vreg.scatter [tilespmem:s0], [sflag:$0x2], $0x80, v4, vm0, $0xb8;
	[tilespmem:$0x18200] =	vst v63  }
0x211: {  	s0 =	simm.s32 $0x1200  }
0x212: {  	[hbm4b:s18+s3] =	stream.indirect_vreg.scatter [tilespmem:s0], [sflag:$0x2], $0x80, v4, vm0, $0xb8;
	[tilespmem:$0x18200] =	vst v63  }
0x213: {  	s0 =	simm.s32 $0x1A00  }
0x214: {  	[hbm4b:s8+s3] =	stream.indirect_vreg.scatter [tilespmem:s0], [sflag:$0x2], $0x80, v3, vm0, $0xb8;
	[tilespmem:$0x18200] =	vst v63  }
0x215: {  	s0 =	simm.s32 $0x2200  }
0x216: {  	[hbm4b:s17+s3] =	stream.indirect_vreg.scatter [tilespmem:s0], [sflag:$0x2], $0x80, v3, vm0, $0xb8;
	[tilespmem:$0x18200] =	vst v63  }
0x217: {  	s0 =	simm.s32 $0x2A00  }
0x218: {  	[hbm4b:s18+s3] =	stream.indirect_vreg.scatter [tilespmem:s0], [sflag:$0x2], $0x80, v3, vm0, $0xb8;
	[tilespmem:$0x18200] =	vst v63  }
0x219: {  	v3 =	vld [tilespmem:$0x190];
	_ =	sdelay $0x4  }
0x21a: {  	v57 =	vshrl.u32 v3, $0x3  }
0x21b: {  	v4 =	vmul.u32 $0x30, v57  }
0x21c: {  	v3 =	vand.u32 $0x7, v3  }
0x21d: {  	v3 =	vor.u32 v3, v4  }
0x21e: {  	v4 =	vperm.xlane v3, v0;
	_ =	sdelay $0x1  }
0x21f: {  	v4 =	vadd.s32 v1, v4;
	_ =	sdelay $0x3  }
0x220: {  	s0 =	simm.s32 $0x3200;
	v3 =	vperm.xlane v3, v2  }
0x221: {  	[hbm4b:s8+s3] =	stream.indirect_vreg.scatter [tilespmem:s0], [sflag:$0x2], $0x80, v4, vm0, $0xb8;
	[tilespmem:$0x18200] =	vst v63  }
0x222: {  	v3 =	vadd.s32 v1, v3;
	s0 =	simm.s32 $0x3A00  }
0x223: {  	[hbm4b:s17+s3] =	stream.indirect_vreg.scatter [tilespmem:s0], [sflag:$0x2], $0x80, v4, vm0, $0xb8;
	[tilespmem:$0x18200] =	vst v63  }
0x224: {  	s0 =	simm.s32 $0x4200  }
0x225: {  	[hbm4b:s18+s3] =	stream.indirect_vreg.scatter [tilespmem:s0], [sflag:$0x2], $0x80, v4, vm0, $0xb8;
	[tilespmem:$0x18200] =	vst v63  }
0x226: {  	s0 =	simm.s32 $0x4A00  }
0x227: {  	[hbm4b:s8+s3] =	stream.indirect_vreg.scatter [tilespmem:s0], [sflag:$0x2], $0x80, v3, vm0, $0xb8;
	[tilespmem:$0x18200] =	vst v63  }
0x228: {  	s0 =	simm.s32 $0x5200  }
0x229: {  	[hbm4b:s17+s3] =	stream.indirect_vreg.scatter [tilespmem:s0], [sflag:$0x2], $0x80, v3, vm0, $0xb8;
	[tilespmem:$0x18200] =	vst v63  }
0x22a: {  	s0 =	simm.s32 $0x5A00  }
0x22b: {  	[hbm4b:s18+s3] =	stream.indirect_vreg.scatter [tilespmem:s0], [sflag:$0x2], $0x80, v3, vm0, $0xb8;
	[tilespmem:$0x18200] =	vst v63  }
0x22c: {  	v3 =	vld [tilespmem:$0x1A0];
	_ =	sdelay $0x4  }
0x22d: {  	v58 =	vshrl.u32 v3, $0x3  }
0x22e: {  	v4 =	vmul.u32 $0x30, v58  }
0x22f: {  	v3 =	vand.u32 $0x7, v3  }
0x230: {  	v3 =	vor.u32 v3, v4  }
0x231: {  	v4 =	vperm.xlane v3, v0;
	_ =	sdelay $0x1  }
0x232: {  	v4 =	vadd.s32 v1, v4;
	_ =	sdelay $0x3  }
0x233: {  	s0 =	simm.s32 $0x6200;
	v3 =	vperm.xlane v3, v2  }
0x234: {  	[hbm4b:s8+s3] =	stream.indirect_vreg.scatter [tilespmem:s0], [sflag:$0x2], $0x80, v4, vm0, $0xb8;
	[tilespmem:$0x18200] =	vst v63  }
0x235: {  	v3 =	vadd.s32 v1, v3;
	s0 =	simm.s32 $0x6A00  }
0x236: {  	[hbm4b:s17+s3] =	stream.indirect_vreg.scatter [tilespmem:s0], [sflag:$0x2], $0x80, v4, vm0, $0xb8;
	[tilespmem:$0x18200] =	vst v63  }
0x237: {  	s0 =	simm.s32 $0x7200  }
0x238: {  	[hbm4b:s18+s3] =	stream.indirect_vreg.scatter [tilespmem:s0], [sflag:$0x2], $0x80, v4, vm0, $0xb8;
	[tilespmem:$0x18200] =	vst v63  }
0x239: {  	s0 =	simm.s32 $0x7A00  }
0x23a: {  	[hbm4b:s8+s3] =	stream.indirect_vreg.scatter [tilespmem:s0], [sflag:$0x2], $0x80, v3, vm0, $0xb8;
	[tilespmem:$0x18200] =	vst v63  }
0x23b: {  	s0 =	simm.s32 $0x8200  }
0x23c: {  	[hbm4b:s17+s3] =	stream.indirect_vreg.scatter [tilespmem:s0], [sflag:$0x2], $0x80, v3, vm0, $0xb8;
	[tilespmem:$0x18200] =	vst v63  }
0x23d: {  	s0 =	simm.s32 $0x8A00  }
0x23e: {  	[hbm4b:s18+s3] =	stream.indirect_vreg.scatter [tilespmem:s0], [sflag:$0x2], $0x80, v3, vm0, $0xb8;
	[tilespmem:$0x18200] =	vst v63  }
0x23f: {  	v3 =	vld [tilespmem:$0x1B0];
	_ =	sdelay $0x4  }
0x240: {  	v59 =	vshrl.u32 v3, $0x3  }
0x241: {  	v4 =	vmul.u32 $0x30, v59  }
0x242: {  	v3 =	vand.u32 $0x7, v3  }
0x243: {  	v3 =	vor.u32 v3, v4  }
0x244: {  	v4 =	vperm.xlane v3, v0;
	_ =	sdelay $0x1  }
0x245: {  	v4 =	vadd.s32 v1, v4;
	_ =	sdelay $0x3  }
0x246: {  	s0 =	simm.s32 $0x9200;
	v3 =	vperm.xlane v3, v2  }
0x247: {  	[hbm4b:s8+s3] =	stream.indirect_vreg.scatter [tilespmem:s0], [sflag:$0x2], $0x80, v4, vm0, $0xb8;
	[tilespmem:$0x18200] =	vst v63  }
0x248: {  	v3 =	vadd.s32 v1, v3;
	s0 =	simm.s32 $0x9A00  }
0x249: {  	[hbm4b:s17+s3] =	stream.indirect_vreg.scatter [tilespmem:s0], [sflag:$0x2], $0x80, v4, vm0, $0xb8;
	[tilespmem:$0x18200] =	vst v63  }
0x24a: {  	s7 =	simm.s32 $0xA200  }
0x24b: {  	[hbm4b:s18+s3] =	stream.indirect_vreg.scatter [tilespmem:s7], [sflag:$0x2], $0x80, v4, vm0, $0xb8;
	[tilespmem:$0x18200] =	vst v63  }
0x24c: {  	s10 =	simm.s32 $0xAA00  }
0x24d: {  	[hbm4b:s8+s3] =	stream.indirect_vreg.scatter [tilespmem:s10], [sflag:$0x2], $0x80, v3, vm0, $0xb8;
	[tilespmem:$0x18200] =	vst v63  }
0x24e: {  	s11 =	simm.s32 $0xB200  }
0x24f: {  	[hbm4b:s17+s3] =	stream.indirect_vreg.scatter [tilespmem:s11], [sflag:$0x2], $0x80, v3, vm0, $0xb8;
	[tilespmem:$0x18200] =	vst v63  }
0x250: {  	_ = 	snop  }
0x251: {  	[hbm4b:s18+s3] =	stream.indirect_vreg.scatter [tilespmem:s20], [sflag:$0x2], $0x80, v3, vm0, $0xb8;
	[tilespmem:$0x18200] =	vst v63  }
0x252: {  	v3 =	vld [tilespmem:$0x1C0];
	_ =	sdelay $0x4  }
0x253: {  	v60 =	vshrl.u32 v3, $0x3  }
0x254: {  	v4 =	vmul.u32 $0x30, v60  }
0x255: {  	v3 =	vand.u32 $0x7, v3  }
0x256: {  	v3 =	vor.u32 v3, v4  }
0x257: {  	v4 =	vperm.xlane v3, v0;
	_ =	sdelay $0x1  }
0x258: {  	v4 =	vadd.s32 v1, v4;
	_ =	sdelay $0x3  }
0x259: {  	s11 =	simm.s32 $0xC200;
	v3 =	vperm.xlane v3, v2  }
0x25a: {  	[hbm4b:s8+s3] =	stream.indirect_vreg.scatter [tilespmem:s11], [sflag:$0x2], $0x80, v4, vm0, $0xb8;
	[tilespmem:$0x18200] =	vst v63  }
0x25b: {  	s12 =	simm.s32 $0xCA00;
	v3 =	vadd.s32 v1, v3  }
0x25c: {  	[hbm4b:s17+s3] =	stream.indirect_vreg.scatter [tilespmem:s12], [sflag:$0x2], $0x80, v4, vm0, $0xb8;
	[tilespmem:$0x18200] =	vst v63  }
0x25d: {  	s13 =	simm.s32 $0xD200  }
0x25e: {  	[hbm4b:s18+s3] =	stream.indirect_vreg.scatter [tilespmem:s13], [sflag:$0x2], $0x80, v4, vm0, $0xb8;
	[tilespmem:$0x18200] =	vst v63  }
0x25f: {  	s14 =	simm.s32 $0xDA00  }
0x260: {  	[hbm4b:s8+s3] =	stream.indirect_vreg.scatter [tilespmem:s14], [sflag:$0x2], $0x80, v3, vm0, $0xb8;
	[tilespmem:$0x18200] =	vst v63  }
0x261: {  	s15 =	simm.s32 $0xE200  }
0x262: {  	[hbm4b:s17+s3] =	stream.indirect_vreg.scatter [tilespmem:s15], [sflag:$0x2], $0x80, v3, vm0, $0xb8;
	[tilespmem:$0x18200] =	vst v63  }
0x263: {  	s15 =	simm.s32 $0xEA00  }
0x264: {  	[hbm4b:s18+s3] =	stream.indirect_vreg.scatter [tilespmem:s15], [sflag:$0x2], $0x80, v3, vm0, $0xb8;
	[tilespmem:$0x18200] =	vst v63  }
0x265: {  	v3 =	vld [tilespmem:$0x1D0];
	_ =	sdelay $0x4  }
0x266: {  	v61 =	vshrl.u32 v3, $0x3  }
0x267: {  	v4 =	vmul.u32 $0x30, v61  }
0x268: {  	v3 =	vand.u32 $0x7, v3  }
0x269: {  	v3 =	vor.u32 v3, v4  }
0x26a: {  	v4 =	vperm.xlane v3, v0;
	_ =	sdelay $0x1  }
0x26b: {  	v4 =	vadd.s32 v1, v4;
	_ =	sdelay $0x3  }
0x26c: {  	s20 =	simm.s32 $0xF200;
	v3 =	vperm.xlane v3, v2  }
0x26d: {  	[hbm4b:s8+s3] =	stream.indirect_vreg.scatter [tilespmem:s20], [sflag:$0x2], $0x80, v4, vm0, $0xb8;
	[tilespmem:$0x18200] =	vst v63  }
0x26e: {  	s16 =	simm.s32 $0xFA00;
	v3 =	vadd.s32 v1, v3  }
0x26f: {  	[hbm4b:s17+s3] =	stream.indirect_vreg.scatter [tilespmem:s16], [sflag:$0x2], $0x80, v4, vm0, $0xb8;
	[tilespmem:$0x18200] =	vst v63  }
0x270: {  	s21 =	simm.s32 $0x10200  }
0x271: {  	[hbm4b:s18+s3] =	stream.indirect_vreg.scatter [tilespmem:s21], [sflag:$0x2], $0x80, v4, vm0, $0xb8;
	[tilespmem:$0x18200] =	vst v63  }
0x272: {  	s22 =	simm.s32 $0x10A00  }
0x273: {  	[hbm4b:s8+s3] =	stream.indirect_vreg.scatter [tilespmem:s22], [sflag:$0x2], $0x80, v3, vm0, $0xb8;
	[tilespmem:$0x18200] =	vst v63  }
0x274: {  	s23 =	simm.s32 $0x11200  }
0x275: {  	[hbm4b:s17+s3] =	stream.indirect_vreg.scatter [tilespmem:s23], [sflag:$0x2], $0x80, v3, vm0, $0xb8;
	[tilespmem:$0x18200] =	vst v63  }
0x276: {  	s22 =	simm.s32 $0x11A00  }
0x277: {  	[hbm4b:s18+s3] =	stream.indirect_vreg.scatter [tilespmem:s22], [sflag:$0x2], $0x80, v3, vm0, $0xb8;
	[tilespmem:$0x18200] =	vst v63  }
0x278: {  	v3 =	vld [tilespmem:$0x1E0];
	_ =	sdelay $0x4  }
0x279: {  	v62 =	vshrl.u32 v3, $0x3  }
0x27a: {  	v4 =	vmul.u32 $0x30, v62  }
0x27b: {  	v3 =	vand.u32 $0x7, v3  }
0x27c: {  	v3 =	vor.u32 v3, v4  }
0x27d: {  	v4 =	vperm.xlane v3, v0;
	_ =	sdelay $0x1  }
0x27e: {  	v4 =	vadd.s32 v1, v4;
	_ =	sdelay $0x3  }
0x27f: {  	s23 =	simm.s32 $0x12200;
	v3 =	vperm.xlane v3, v2  }
0x280: {  	[hbm4b:s8+s3] =	stream.indirect_vreg.scatter [tilespmem:s23], [sflag:$0x2], $0x80, v4, vm0, $0xb8;
	[tilespmem:$0x18200] =	vst v63  }
0x281: {  	s24 =	simm.s32 $0x12A00;
	v3 =	vadd.s32 v1, v3  }
0x282: {  	[hbm4b:s17+s3] =	stream.indirect_vreg.scatter [tilespmem:s24], [sflag:$0x2], $0x80, v4, vm0, $0xb8;
	[tilespmem:$0x18200] =	vst v63  }
0x283: {  	s25 =	simm.s32 $0x13200  }
0x284: {  	[hbm4b:s18+s3] =	stream.indirect_vreg.scatter [tilespmem:s25], [sflag:$0x2], $0x80, v4, vm0, $0xb8;
	[tilespmem:$0x18200] =	vst v63  }
0x285: {  	s26 =	simm.s32 $0x13A00  }
0x286: {  	[hbm4b:s8+s3] =	stream.indirect_vreg.scatter [tilespmem:s26], [sflag:$0x2], $0x80, v3, vm0, $0xb8;
	[tilespmem:$0x18200] =	vst v63  }
0x287: {  	s28 =	simm.s32 $0x14200  }
0x288: {  	[hbm4b:s17+s3] =	stream.indirect_vreg.scatter [tilespmem:s28], [sflag:$0x2], $0x80, v3, vm0, $0xb8;
	[tilespmem:$0x18200] =	vst v63  }
0x289: {  	s26 =	simm.s32 $0x14A00  }
0x28a: {  	[hbm4b:s18+s3] =	stream.indirect_vreg.scatter [tilespmem:s26], [sflag:$0x2], $0x80, v3, vm0, $0xb8;
	[tilespmem:$0x18200] =	vst v63  }
0x28b: {  	v3 =	vld [tilespmem:$0x1F0];
	_ =	sdelay $0x4  }
0x28c: {  	v63 =	vshrl.u32 v3, $0x3  }
0x28d: {  	v4 =	vmul.u32 $0x30, v63  }
0x28e: {  	v3 =	vand.u32 $0x7, v3  }
0x28f: {  	v3 =	vor.u32 v3, v4  }
0x290: {  	v4 =	vperm.xlane v3, v0;
	_ =	sdelay $0x1  }
0x291: {  	v4 =	vadd.s32 v1, v4;
	_ =	sdelay $0x3  }
0x292: {  	s28 =	simm.s32 $0x15200;
	v3 =	vperm.xlane v3, v2  }
0x293: {  	[hbm4b:s8+s3] =	stream.indirect_vreg.scatter [tilespmem:s28], [sflag:$0x2], $0x80, v4, vm0, $0xb8;
	[tilespmem:$0x18200] =	vst v63  }
0x294: {  	s29 =	simm.s32 $0x15A00;
	v3 =	vadd.s32 v1, v3  }
0x295: {  	[hbm4b:s17+s3] =	stream.indirect_vreg.scatter [tilespmem:s29], [sflag:$0x2], $0x80, v4, vm0, $0xb8;
	[tilespmem:$0x18200] =	vst v63  }
0x296: {  	s30 =	simm.s32 $0x16200  }
0x297: {  	[hbm4b:s18+s3] =	stream.indirect_vreg.scatter [tilespmem:s30], [sflag:$0x2], $0x80, v4, vm0, $0xb8;
	[tilespmem:$0x18200] =	vst v63  }
0x298: {  	s9 =	sadd.s32 $0xFFFFFFFF, s9;
	s31 =	simm.s32 $0x16A00  }
0x299: {  	[hbm4b:s8+s3] =	stream.indirect_vreg.scatter [tilespmem:s31], [sflag:$0x2], $0x80, v3, vm0, $0xb8;
	[tilespmem:$0x18200] =	vst v63  }
0x29a: {  	p1 =	sne.s32 s9, $0x0;
	s6 =	simm.s32 $0x17200  }
0x29b: {  	[hbm4b:s17+s3] =	stream.indirect_vreg.scatter [tilespmem:s6], [sflag:$0x2], $0x80, v3, vm0, $0xb8;
	[tilespmem:$0x18200] =	vst v63  }
.Ltmp0:
0x29c: {  	s2 =	simm.s32 $0x17A00;
	(pc) =	sbr.rel @p1 .LBB2_1-.Ltmp0, $4  }
0x29d: {  	[hbm4b:s18+s3] =	stream.indirect_vreg.scatter [tilespmem:s2], [sflag:$0x2], $0x80, v3, vm0, $0xb8;
	[tilespmem:$0x18200] =	vst v63  }
0x29e: {  	_ =	swait.ge [sflag:s19], $0x18000  }
0x29f: {  	[sflag:s19] =	ssyncset.done $0x0  }
0x2a0: {  	[sflag:s19] =	ssyncadd.s32 $0xFFFE8000  }
0x2a1: {  	_ =	sfence.sel $0x180000  }
0x2a2: {  	[bflag:$0x0] =	sbarrier.arrive $0xFFFF  }
0x2a3: {  	_ =	strace $0x90000047  }
0x2a4: {  	s0 =	stileid.u32;
	[bflag:$0x2] =	sbarrier.arrive $0xFFFF  }
0x2a5: {  	p0 =	sne.s32 s0, $0x0;
	s0 =	rddreg [dreg:$0x4]  }
0x2a6: {  	s0 =	sadd.s32 @!p0 $0x100000, s0  }
0x2a7: {  	[sflag:s0] =	ssyncadd.tile.s32 @!p0 $0x1;
	_ =	shalt  }
.Lfunc_end2:
_tile_overlayer_lowered:
.L_overlay_start_2:
0x2a8: {  	(tag) =	ssettag $0x2  }
0x2a9: {  	s0 =	rddreg [dreg:$0x0];
	s2 =	stileid.u32  }
0x2aa: {  	s1 =	rddreg [dreg:$0x1];
	p0 =	sne.s32 s2, $0x0  }
0x2ab: {  	s3 =	rddreg [dreg:$0x2];
	[bflag:$0x3] =	sbarrier.arrive $0xFFFF;
	s2 =	simm.s32 @!p0 $0x1C03  }
0x2ac: {  	[timem:s3], [sflag:s2] =	dma.local @!p0 [hbm:s0], s1  }
0x2ad: {  	s0 =	simm.s32 @!p0 $0x3  }
0x2ae: {  	_ =	swait.ge @!p0 [sflag:s0], s1  }
0x2af: {  	s1 =	ssub.s32 @!p0 $0x0, s1;
	[sflag:s0] =	ssyncset.done @!p0 $0x0  }
0x2b0: {  	[sflag:s0] =	ssyncadd.s32 @!p0 s1  }
0x2b1: {  	[bflag:$0x3] =	sbarrier.arrive $0xFFFF  }
0x2b2: {  	_ =	shalt  }

</sc_bundles>
